<compile_context>
chip_gen: v7x
topology: tpu7x:2x2x1
jax: 0.10.2.dev20260603
libtpu: 0.0.44.dev20260713+nightly
codegen_flags: <defaults>
</compile_context>

<pallas_src>
import functools
import math

import jax
import jax.numpy as jnp
from jax import lax
from jax.experimental import pallas as pl
from jax.experimental.pallas import tpu as pltpu
from jax.experimental.pallas import tpu_sc as plsc

T = 2048
H = 1024
I = 2048
E = 16
G = 4
EPG = 4
TOPK = 2
CAP = int(math.ceil(T * TOPK / E * 1.25))
SLOTS = E * CAP
ZERO_ROW = SLOTS
TAB = SLOTS + 8
NEG = -1e30

TB = 256
NB = T // TB

NC = 2
NS = 16
NW = NC * NS
SPW = SLOTS // NW
TPW = T // NW
CH = 32

IB = 2048



def _route_body(x_ref, wg_ref, we_ref, s1_ref, s2_ref, w1_ref, w2_ref, cnt_ref):
    i = pl.program_id(0)

    @pl.when(i == 0)
    def _():
        cnt_ref[...] = jnp.zeros_like(cnt_ref)

    x = x_ref[...]
    gl = jnp.dot(x, wg_ref[...], preferred_element_type=jnp.float32)
    gm = jnp.max(gl, axis=-1, keepdims=True)
    ge = jnp.exp(gl - gm)
    gp = ge / jnp.sum(ge, axis=-1, keepdims=True)
    gid = jnp.argmax(gp, axis=-1).astype(jnp.int32)
    gprob = jnp.max(gp, axis=-1)

    el16 = jnp.concatenate(
        [jnp.dot(x, we_ref[g], preferred_element_type=jnp.float32)
         for g in range(G)], axis=1)
    lane = lax.broadcasted_iota(jnp.int32, (TB, E), 1)
    colmask = (lane // EPG) == gid[:, None]
    p16 = jnp.where(colmask, el16, NEG)
    m1 = jnp.max(p16, axis=-1)
    sume = jnp.sum(jnp.exp(p16 - m1[:, None]), axis=-1)
    eid1 = jnp.argmax(p16, axis=-1).astype(jnp.int32)
    p16b = jnp.where(lane == eid1[:, None], NEG, p16)
    eid2 = jnp.argmax(p16b, axis=-1).astype(jnp.int32)
    m2 = jnp.max(p16b, axis=-1)
    p1 = 1.0 / sume
    p2 = jnp.exp(m2 - m1) / sume
    den = p1 + p2
    cw1 = (p1 / den) * gprob
    cw2 = (p2 / den) * gprob

    oh1 = (lane == eid1[:, None]).astype(jnp.float32)
    oh2 = (lane == eid2[:, None]).astype(jnp.float32)
    ohs = oh1 + oh2
    r = lax.broadcasted_iota(jnp.int32, (TB, TB), 0)
    c = lax.broadcasted_iota(jnp.int32, (TB, TB), 1)
    tril = (r > c).astype(jnp.float32)
    csum = jnp.dot(tril, ohs, preferred_element_type=jnp.float32)
    tot = csum + cnt_ref[0:1, :E]
    pos1 = jnp.sum(oh1 * tot, axis=-1).astype(jnp.int32)
    pos2 = jnp.sum(oh2 * tot, axis=-1).astype(jnp.int32)
    cnt_ref[0:1, :E] = cnt_ref[0:1, :E] + jnp.sum(ohs, axis=0, keepdims=True)

    slot1 = jnp.where(pos1 < CAP, eid1 * CAP + pos1, ZERO_ROW)
    slot2 = jnp.where(pos2 < CAP, eid2 * CAP + pos2, ZERO_ROW)
    s1_ref[...] = slot1.reshape(1, 1, TB)
    s2_ref[...] = slot2.reshape(1, 1, TB)
    w1_ref[...] = cw1.reshape(1, 1, TB)
    w2_ref[...] = cw2.reshape(1, 1, TB)


def _route(x, wg, we_router, interpret=False):
    return pl.pallas_call(
        _route_body,
        grid=(NB,),
        in_specs=[
            pl.BlockSpec((TB, H), lambda i: (i, 0)),
            pl.BlockSpec((H, G), lambda i: (0, 0)),
            pl.BlockSpec((G, H, EPG), lambda i: (0, 0, 0)),
        ],
        out_specs=[
            pl.BlockSpec((1, 1, TB), lambda i: (i, 0, 0)),
            pl.BlockSpec((1, 1, TB), lambda i: (i, 0, 0)),
            pl.BlockSpec((1, 1, TB), lambda i: (i, 0, 0)),
            pl.BlockSpec((1, 1, TB), lambda i: (i, 0, 0)),
        ],
        out_shape=[
            jax.ShapeDtypeStruct((NB, 1, TB), jnp.int32),
            jax.ShapeDtypeStruct((NB, 1, TB), jnp.int32),
            jax.ShapeDtypeStruct((NB, 1, TB), jnp.float32),
            jax.ShapeDtypeStruct((NB, 1, TB), jnp.float32),
        ],
        scratch_shapes=[pltpu.VMEM((8, 128), jnp.float32)],
        interpret=interpret,
    )(x, wg, we_router)



def _dispatch_body(x_hbm, s1_hbm, s2_hbm, w1_hbm, w2_hbm,
                   buf_hbm, wslot_hbm,
                   s1v, s2v, w1v, w2v, wt, idx1, idx2, rows,
                   semr, semc1, semc2):
    wid = lax.axis_index("c") * NS + lax.axis_index("s")
    base = wid * SPW
    tb = wid * TPW
    cpr = pltpu.async_copy(x_hbm.at[pl.ds(tb, TPW)], rows, semr)
    pltpu.sync_copy(s1_hbm.at[pl.ds(tb, TPW)], idx1)
    pltpu.sync_copy(s2_hbm.at[pl.ds(tb, TPW)], idx2)
    pltpu.sync_copy(s1_hbm, s1v)
    pltpu.sync_copy(s2_hbm, s2v)
    pltpu.sync_copy(w1_hbm, w1v)
    pltpu.sync_copy(w2_hbm, w2v)

    zf = jnp.zeros((16,), jnp.float32)

    @plsc.parallel_loop(0, TAB // 16, unroll=8)
    def _(k):
        wt[pl.ds(k * 16, 16)] = zf

    @plsc.parallel_loop(0, T // 16, unroll=4)
    def _(k):
        t0 = k * 16
        s1 = s1v[pl.ds(t0, 16)]
        s2 = s2v[pl.ds(t0, 16)]
        plsc.store_scatter(wt, [s1], w1v[pl.ds(t0, 16)])
        plsc.store_scatter(wt, [s2], w2v[pl.ds(t0, 16)])

    cpr.wait()
    cp1 = pltpu.async_copy(rows, buf_hbm.at[idx1], semc1)
    cp2 = pltpu.async_copy(rows, buf_hbm.at[idx2], semc2)
    pltpu.sync_copy(wt.at[pl.ds(base, SPW)], wslot_hbm.at[pl.ds(base, SPW)])
    cp1.wait()
    cp2.wait()


def _dispatch(x, s1, s2, w1, w2):
    mesh = plsc.VectorSubcoreMesh(core_axis_name="c", subcore_axis_name="s",
                                  num_cores=NC, num_subcores=NS)
    f = pl.kernel(
        _dispatch_body,
        out_type=[
            jax.ShapeDtypeStruct(((E + 1) * CAP, H), jnp.float32),
            jax.ShapeDtypeStruct((SLOTS,), jnp.float32),
        ],
        mesh=mesh,
        scratch_types=[
            pltpu.VMEM((T,), jnp.int32),
            pltpu.VMEM((T,), jnp.int32),
            pltpu.VMEM((T,), jnp.float32),
            pltpu.VMEM((T,), jnp.float32),
            pltpu.VMEM((TAB,), jnp.float32),
            pltpu.VMEM((TPW,), jnp.int32),
            pltpu.VMEM((TPW,), jnp.int32),
            pltpu.VMEM((TPW, H), jnp.float32),
            pltpu.SemaphoreType.DMA,
            pltpu.SemaphoreType.DMA,
            pltpu.SemaphoreType.DMA,
        ],
        compiler_params=pltpu.CompilerParams(needs_layout_passes=False),
    )
    return f(x, s1, s2, w1, w2)



def _ffn_body(buf_ref, g_ref, u_ref, d_ref, ws_ref, eo_ref):
    e = pl.program_id(0)

    @pl.when(e < E)
    def _():
        xb = buf_ref[...].astype(jnp.bfloat16)
        g = jnp.dot(xb, g_ref[0].astype(jnp.bfloat16),
                    preferred_element_type=jnp.float32)
        u = jnp.dot(xb, u_ref[0].astype(jnp.bfloat16),
                    preferred_element_type=jnp.float32)
        h = (g * lax.logistic(g) * u).astype(jnp.bfloat16)
        eo_ref[...] = jnp.dot(h, d_ref[0].astype(jnp.bfloat16),
                              preferred_element_type=jnp.float32) * ws_ref[0]

    @pl.when(e == E)
    def _():
        eo_ref[...] = jnp.zeros_like(eo_ref)


def _ffn(buf, gate_w, up_w, down_w, wslot3, interpret=False):
    emin = lambda e: jnp.minimum(e, E - 1)
    return pl.pallas_call(
        _ffn_body,
        grid=(E + 1,),
        in_specs=[
            pl.BlockSpec((CAP, H), lambda e: (emin(e), 0)),
            pl.BlockSpec((1, H, IB), lambda e: (emin(e), 0, 0)),
            pl.BlockSpec((1, H, IB), lambda e: (emin(e), 0, 0)),
            pl.BlockSpec((1, IB, H), lambda e: (emin(e), 0, 0)),
            pl.BlockSpec((1, CAP, 1), lambda e: (emin(e), 0, 0)),
        ],
        out_specs=pl.BlockSpec((CAP, H), lambda e: (e, 0)),
        out_shape=jax.ShapeDtypeStruct(((E + 1) * CAP, H), jnp.float32),
        compiler_params=pltpu.CompilerParams(
            vmem_limit_bytes=120 * 1024 * 1024),
        interpret=interpret,
    )(buf, gate_w, up_w, down_w, wslot3)



def _combine_body(eo_hbm, s1_hbm, s2_hbm, out_hbm,
                  idx1, idx2, r1, r2, sem1, sem2):
    wid = lax.axis_index("c") * NS + lax.axis_index("s")
    tb = wid * TPW
    pltpu.sync_copy(s1_hbm.at[pl.ds(tb, TPW)], idx1)
    pltpu.sync_copy(s2_hbm.at[pl.ds(tb, TPW)], idx2)

    def chunk(c, carry):
        co = c * CH
        cp1 = pltpu.async_copy(eo_hbm.at[idx1.at[pl.ds(co, CH)]], r1, sem1)
        cp2 = pltpu.async_copy(eo_hbm.at[idx2.at[pl.ds(co, CH)]], r2, sem2)
        cp1.wait()
        cp2.wait()

        @plsc.parallel_loop(0, CH * (H // 16), unroll=8)
        def _(q):
            j = q // (H // 16)
            off = (q % (H // 16)) * 16
            r1[j, pl.ds(off, 16)] = r1[j, pl.ds(off, 16)] + r2[j, pl.ds(off, 16)]

        pltpu.sync_copy(r1, out_hbm.at[pl.ds(tb + co, CH)])
        return carry
    lax.fori_loop(0, TPW // CH, chunk, 0)


def _combine(eo, s1, s2):
    mesh = plsc.VectorSubcoreMesh(core_axis_name="c", subcore_axis_name="s",
                                  num_cores=NC, num_subcores=NS)
    f = pl.kernel(
        _combine_body,
        out_type=jax.ShapeDtypeStruct((T, H), jnp.float32),
        mesh=mesh,
        scratch_types=[
            pltpu.VMEM((TPW,), jnp.int32),
            pltpu.VMEM((TPW,), jnp.int32),
            pltpu.VMEM((CH, H), jnp.float32),
            pltpu.VMEM((CH, H), jnp.float32),
            pltpu.SemaphoreType.DMA,
            pltpu.SemaphoreType.DMA,
        ],
        compiler_params=pltpu.CompilerParams(needs_layout_passes=False),
    )
    return f(eo, s1, s2)



def kernel(x, Wg_router, We_router, gate_w, up_w, down_w):
    s1, s2, w1, w2 = _route(x, Wg_router, We_router)
    s1 = s1.reshape(T)
    s2 = s2.reshape(T)
    w1 = w1.reshape(T)
    w2 = w2.reshape(T)
    buf, wslot = _dispatch(x, s1, s2, w1, w2)
    eo = _ffn(buf, gate_w, up_w, down_w, wslot.reshape(E, CAP, 1))
    out = _combine(eo, s1, s2)
    return out

# --- scband reference (transcript-rebuilt; emitter-appended) ---
"""Pipeline reference for scband-hierarchical-mo-e-17368847745267 (READ-ONLY COPY).

The authoritative reference and input builder live on the scoring server;
editing this copy changes nothing except your own understanding.
"""

import math
import jax, jax.numpy as jnp
import numpy as np

T = 2048      # tokens (batch=1 * seq=2048)
H = 1024      # hidden_size
I = 2048      # intermediate_size
E = 16        # num_experts
G = 4         # expert groups (sqrt(E))
EPG = 4       # experts per group
TOPK = 2
CAP = int(math.ceil(T * TOPK / E * 1.25))  # 320


def setup_inputs(seed: int = 0) -> dict:
    key = jax.random.key(seed)
    ks = jax.random.split(key, 6)
    x = jax.random.normal(ks[0], (T, H), dtype=jnp.float32)
    sh = 1.0 / math.sqrt(H)
    si = 1.0 / math.sqrt(I)
    Wg_router = jax.random.normal(ks[1], (H, G), dtype=jnp.float32) * sh
    We_router = jax.random.normal(ks[2], (G, H, EPG), dtype=jnp.float32) * sh
    gate_w = jax.random.normal(ks[3], (E, H, I), dtype=jnp.float32) * sh
    up_w = jax.random.normal(ks[4], (E, H, I), dtype=jnp.float32) * sh
    down_w = jax.random.normal(ks[5], (E, I, H), dtype=jnp.float32) * si
    return {"x": x, "Wg_router": Wg_router, "We_router": We_router,
            "gate_w": gate_w, "up_w": up_w, "down_w": down_w}


def reference(x, Wg_router, We_router, gate_w, up_w, down_w):
    # ---- Level 1: route tokens to expert groups (top-1, fp32 router) ----
    xf = x.astype(jnp.float32)
    group_logits = xf @ Wg_router                                   # [T, G]
    group_probs = jax.nn.softmax(group_logits, axis=-1)
    gid = jnp.argmax(group_probs, axis=-1)                          # [T]
    gprob = jnp.take_along_axis(group_probs, gid[:, None], axis=1)[:, 0]
    # ---- Level 2: route within selected group (top-k) ----
    We_sel = We_router[gid]                                         # [T, H, EPG]
    exp_logits = jnp.einsum('th,the->te', xf, We_sel)               # [T, EPG]
    exp_probs = jax.nn.softmax(exp_logits, axis=-1)
    topw, topi = jax.lax.top_k(exp_probs, TOPK)                     # [T, k]
    topw = topw / jnp.sum(topw, axis=-1, keepdims=True)             # normalize_router_weights
    combine_w = (topw * gprob[:, None]).astype(x.dtype)             # [T, k]
    eid = gid[:, None] * EPG + topi                                 # [T, k] global expert ids
    # ---- Capacity-based dispatch ----
    eid_flat = eid.reshape(-1)                                      # [T*k]
    w_flat = combine_w.reshape(-1)                                  # [T*k]
    tok_flat = jnp.repeat(jnp.arange(T), TOPK)                      # [T*k]
    onehot = jax.nn.one_hot(eid_flat, E, dtype=jnp.int32)           # [T*k, E]
    pos_all = jnp.cumsum(onehot, axis=0) - 1
    pos = jnp.take_along_axis(pos_all, eid_flat[:, None], axis=1)[:, 0]
    keep = pos < CAP
    pos_c = jnp.where(keep, pos, CAP)                               # dropped -> overflow slot
    buf = jnp.zeros((E, CAP + 1, H), dtype=x.dtype)
    buf = buf.at[eid_flat, pos_c].set(x[tok_flat])
    buf_in = buf[:, :CAP]                                           # [E, CAP, H]
    # ---- Grouped expert FFN (gated SiLU / SwiGLU) ----
    gate = jax.nn.silu(jnp.einsum('ech,ehi->eci', buf_in, gate_w))
    up = jnp.einsum('ech,ehi->eci', buf_in, up_w)
    eo = jnp.einsum('eci,eih->ech', gate * up, down_w)              # [E, CAP, H]
    # ---- Combine: gather back + weighted sum over top-k ----
    eo_pad = jnp.concatenate([eo, jnp.zeros((E, 1, H), dtype=eo.dtype)], axis=1)
    gathered = eo_pad[eid_flat, pos_c]                              # [T*k, H]
    gathered = jnp.where(keep[:, None], gathered, 0.0)
    out = jnp.zeros((T, H), dtype=x.dtype).at[tok_flat].add(gathered * w_flat[:, None])
    return out

if __name__ == "__main__":
    import jax
    _d = setup_inputs()
    print(jax.jit(kernel)(*tuple(_d.values())))

</pallas_src>

<mosaic_0001>
#map = affine_map<(d0, d1) -> (0, 0)>
#map1 = affine_map<(d0, d1) -> (0)>
module attributes {stable_mosaic.version = 14 : i64} {
  func.func @_dispatch_body(%arg0: i32, %arg1: i32, %arg2: memref<2048x1024xf32, #tpu.memory_space<hbm>>, %arg3: memref<2048xi32, #tpu.memory_space<hbm>>, %arg4: memref<2048xi32, #tpu.memory_space<hbm>>, %arg5: memref<2048xf32, #tpu.memory_space<hbm>>, %arg6: memref<2048xf32, #tpu.memory_space<hbm>>, %arg7: memref<5440x1024xf32, #tpu.memory_space<hbm>>, %arg8: memref<5120xf32, #tpu.memory_space<hbm>>, %arg9: memref<2048xi32, #tpu.memory_space<vmem>>, %arg10: memref<2048xi32, #tpu.memory_space<vmem>>, %arg11: memref<2048xf32, #tpu.memory_space<vmem>>, %arg12: memref<2048xf32, #tpu.memory_space<vmem>>, %arg13: memref<5128xf32, #tpu.memory_space<vmem>>, %arg14: memref<64xi32, #tpu.memory_space<vmem>>, %arg15: memref<64xi32, #tpu.memory_space<vmem>>, %arg16: memref<64x1024xf32, #tpu.memory_space<vmem>>, %arg17: memref<!tpu.dma_semaphore, #tpu.memory_space<semaphore_mem>>, %arg18: memref<!tpu.dma_semaphore, #tpu.memory_space<semaphore_mem>>, %arg19: memref<!tpu.dma_semaphore, #tpu.memory_space<semaphore_mem>>) attributes {dimension_semantics = [#tpu.dimension_semantics<core_parallel>, #tpu.dimension_semantics<subcore_parallel>], iteration_bounds = array<i64: 2, 16>, scalar_prefetch = 0 : i64, scratch_operands = 11 : i64, tpu.core_type = #tpu.core_type<sc_vector_subcore>, window_params = [{transform_indices = #map}, {transform_indices = #map1}, {transform_indices = #map1}, {transform_indices = #map1}, {transform_indices = #map1}, {transform_indices = #map}, {transform_indices = #map1}]} {
    %mul3A = arith.constant 16 : i32
    %mul3A_0 = arith.muli %arg0, %mul3A : i32
    %add3A = arith.addi %mul3A_0, %arg1 : i32
    %mul3A_1 = arith.constant 160 : i32
    %mul3A_2 = arith.muli %add3A, %mul3A_1 : i32
    %mul3A_3 = arith.constant 64 : i32
    %mul3A_4 = arith.muli %add3A, %mul3A_3 : i32
    %dma_start3A = arith.constant 0 : i32
    %dma_start3A_5 = tpu.memref_slice %arg2[%mul3A_4, %dma_start3A] : memref<2048x1024xf32, #tpu.memory_space<hbm>> -> memref<64x1024xf32, #tpu.memory_space<hbm>>
    %dma_start3A_6 = arith.constant 0 : i32
    %dma_start3A_7 = tpu.memref_slice %arg2[%mul3A_4, %dma_start3A_6] : memref<2048x1024xf32, #tpu.memory_space<hbm>> -> memref<64x1024xf32, #tpu.memory_space<hbm>>
    tpu.enqueue_dma source(%dma_start3A_7 : memref<64x1024xf32, #tpu.memory_space<hbm>>) target(%arg16 : memref<64x1024xf32, #tpu.memory_space<vmem>>) target_semaphore(%arg17 : memref<!tpu.dma_semaphore, #tpu.memory_space<semaphore_mem>>)
    "tpu.region"() ({
      %run_scoped3A = tpu.sem_alloc : memref<!tpu.dma_semaphore, #tpu.memory_space<semaphore_mem>>
      %dma_start3A_29 = tpu.memref_slice %arg3[%mul3A_4] : memref<2048xi32, #tpu.memory_space<hbm>> -> memref<64xi32, #tpu.memory_space<hbm>>
      %dma_start3A_30 = tpu.memref_slice %arg3[%mul3A_4] : memref<2048xi32, #tpu.memory_space<hbm>> -> memref<64xi32, #tpu.memory_space<hbm>>
      tpu.enqueue_dma source(%dma_start3A_30 : memref<64xi32, #tpu.memory_space<hbm>>) target(%arg14 : memref<64xi32, #tpu.memory_space<vmem>>) target_semaphore(%run_scoped3A : memref<!tpu.dma_semaphore, #tpu.memory_space<semaphore_mem>>)
      %dma_wait3A_31 = tpu.memref_slice %arg3[%mul3A_4] : memref<2048xi32, #tpu.memory_space<hbm>> -> memref<64xi32, #tpu.memory_space<hbm>>
      %dma_wait3A_32 = tpu.memref_slice %arg3[%mul3A_4] : memref<2048xi32, #tpu.memory_space<hbm>> -> memref<64xi32, #tpu.memory_space<hbm>>
      tpu.wait_dma2 semaphore(%run_scoped3A : memref<!tpu.dma_semaphore, #tpu.memory_space<semaphore_mem>>) src(%dma_wait3A_32 : memref<64xi32, #tpu.memory_space<hbm>>) dst(%arg14 : memref<64xi32, #tpu.memory_space<vmem>>)
      tpu.yield
    }) : () -> ()
    "tpu.region"() ({
      %run_scoped3A = tpu.sem_alloc : memref<!tpu.dma_semaphore, #tpu.memory_space<semaphore_mem>>
      %dma_start3A_29 = tpu.memref_slice %arg4[%mul3A_4] : memref<2048xi32, #tpu.memory_space<hbm>> -> memref<64xi32, #tpu.memory_space<hbm>>
      %dma_start3A_30 = tpu.memref_slice %arg4[%mul3A_4] : memref<2048xi32, #tpu.memory_space<hbm>> -> memref<64xi32, #tpu.memory_space<hbm>>
      tpu.enqueue_dma source(%dma_start3A_30 : memref<64xi32, #tpu.memory_space<hbm>>) target(%arg15 : memref<64xi32, #tpu.memory_space<vmem>>) target_semaphore(%run_scoped3A : memref<!tpu.dma_semaphore, #tpu.memory_space<semaphore_mem>>)
      %dma_wait3A_31 = tpu.memref_slice %arg4[%mul3A_4] : memref<2048xi32, #tpu.memory_space<hbm>> -> memref<64xi32, #tpu.memory_space<hbm>>
      %dma_wait3A_32 = tpu.memref_slice %arg4[%mul3A_4] : memref<2048xi32, #tpu.memory_space<hbm>> -> memref<64xi32, #tpu.memory_space<hbm>>
      tpu.wait_dma2 semaphore(%run_scoped3A : memref<!tpu.dma_semaphore, #tpu.memory_space<semaphore_mem>>) src(%dma_wait3A_32 : memref<64xi32, #tpu.memory_space<hbm>>) dst(%arg15 : memref<64xi32, #tpu.memory_space<vmem>>)
      tpu.yield
    }) : () -> ()
    "tpu.region"() ({
      %run_scoped3A = tpu.sem_alloc : memref<!tpu.dma_semaphore, #tpu.memory_space<semaphore_mem>>
      tpu.enqueue_dma source(%arg3 : memref<2048xi32, #tpu.memory_space<hbm>>) target(%arg9 : memref<2048xi32, #tpu.memory_space<vmem>>) target_semaphore(%run_scoped3A : memref<!tpu.dma_semaphore, #tpu.memory_space<semaphore_mem>>)
      tpu.wait_dma2 semaphore(%run_scoped3A : memref<!tpu.dma_semaphore, #tpu.memory_space<semaphore_mem>>) src(%arg3 : memref<2048xi32, #tpu.memory_space<hbm>>) dst(%arg9 : memref<2048xi32, #tpu.memory_space<vmem>>)
      tpu.yield
    }) : () -> ()
    "tpu.region"() ({
      %run_scoped3A = tpu.sem_alloc : memref<!tpu.dma_semaphore, #tpu.memory_space<semaphore_mem>>
      tpu.enqueue_dma source(%arg4 : memref<2048xi32, #tpu.memory_space<hbm>>) target(%arg10 : memref<2048xi32, #tpu.memory_space<vmem>>) target_semaphore(%run_scoped3A : memref<!tpu.dma_semaphore, #tpu.memory_space<semaphore_mem>>)
      tpu.wait_dma2 semaphore(%run_scoped3A : memref<!tpu.dma_semaphore, #tpu.memory_space<semaphore_mem>>) src(%arg4 : memref<2048xi32, #tpu.memory_space<hbm>>) dst(%arg10 : memref<2048xi32, #tpu.memory_space<vmem>>)
      tpu.yield
    }) : () -> ()
    "tpu.region"() ({
      %run_scoped3A = tpu.sem_alloc : memref<!tpu.dma_semaphore, #tpu.memory_space<semaphore_mem>>
      tpu.enqueue_dma source(%arg5 : memref<2048xf32, #tpu.memory_space<hbm>>) target(%arg11 : memref<2048xf32, #tpu.memory_space<vmem>>) target_semaphore(%run_scoped3A : memref<!tpu.dma_semaphore, #tpu.memory_space<semaphore_mem>>)
      tpu.wait_dma2 semaphore(%run_scoped3A : memref<!tpu.dma_semaphore, #tpu.memory_space<semaphore_mem>>) src(%arg5 : memref<2048xf32, #tpu.memory_space<hbm>>) dst(%arg11 : memref<2048xf32, #tpu.memory_space<vmem>>)
      tpu.yield
    }) : () -> ()
    "tpu.region"() ({
      %run_scoped3A = tpu.sem_alloc : memref<!tpu.dma_semaphore, #tpu.memory_space<semaphore_mem>>
      tpu.enqueue_dma source(%arg6 : memref<2048xf32, #tpu.memory_space<hbm>>) target(%arg12 : memref<2048xf32, #tpu.memory_space<vmem>>) target_semaphore(%run_scoped3A : memref<!tpu.dma_semaphore, #tpu.memory_space<semaphore_mem>>)
      tpu.wait_dma2 semaphore(%run_scoped3A : memref<!tpu.dma_semaphore, #tpu.memory_space<semaphore_mem>>) src(%arg6 : memref<2048xf32, #tpu.memory_space<hbm>>) dst(%arg12 : memref<2048xf32, #tpu.memory_space<vmem>>)
      tpu.yield
    }) : () -> ()
    %broadcast_in_dim3A = arith.constant 0.000000e+00 : f32
    %broadcast_in_dim3A_8 = vector.broadcast %broadcast_in_dim3A : f32 to vector<16xf32>
    %parallel_loop3A = arith.constant 0 : i32
    %parallel_loop3A_9 = arith.constant 320 : i32
    %parallel_loop3A_10 = arith.constant 1 : i32
    scf.for %parallel_loop3A_29 = %parallel_loop3A to %parallel_loop3A_9 step %parallel_loop3A_10  : i32 {
      %parallel_loop3A_30 = arith.constant 16 : i32
      %parallel_loop3A_31 = arith.muli %parallel_loop3A_29, %parallel_loop3A_30 : i32
      %parallel_loop3A_32 = arith.index_cast %parallel_loop3A_31 : i32 to index
      %parallel_loop3A_33 = tpu.vector_load %arg13[%parallel_loop3A_32] {strides = array<i32>} : memref<5128xf32, #tpu.memory_space<vmem>>, vector<16xf32>,
      tpu.vector_store %arg13[%parallel_loop3A_32], %broadcast_in_dim3A_8 {strides = array<i32>} : memref<5128xf32, #tpu.memory_space<vmem>>, vector<16xf32>,
    } {sc.loop_unroll_factor = 8 : i64, sc.parallel_access}
    %parallel_loop3A_11 = arith.constant 0 : i32
    %parallel_loop3A_12 = arith.constant 128 : i32
    %parallel_loop3A_13 = arith.constant 1 : i32
    scf.for %parallel_loop3A_29 = %parallel_loop3A_11 to %parallel_loop3A_12 step %parallel_loop3A_13  : i32 {
      %parallel_loop3A_30 = arith.constant 16 : i32
      %parallel_loop3A_31 = arith.muli %parallel_loop3A_29, %parallel_loop3A_30 : i32
      %parallel_loop3A_32 = arith.index_cast %parallel_loop3A_31 : i32 to index
      %parallel_loop3A_33 = tpu.vector_load %arg9[%parallel_loop3A_32] {strides = array<i32>} : memref<2048xi32, #tpu.memory_space<vmem>>, vector<16xi32>,
      %parallel_loop3A_34 = arith.index_cast %parallel_loop3A_31 : i32 to index
      %parallel_loop3A_35 = tpu.vector_load %arg10[%parallel_loop3A_34] {strides = array<i32>} : memref<2048xi32, #tpu.memory_space<vmem>>, vector<16xi32>,
      %parallel_loop3A_36 = arith.index_cast %parallel_loop3A_31 : i32 to index
      %parallel_loop3A_37 = tpu.vector_load %arg11[%parallel_loop3A_36] {strides = array<i32>} : memref<2048xf32, #tpu.memory_space<vmem>>, vector<16xf32>,
      tpu.vector_store_idx %arg13[%parallel_loop3A_33], %parallel_loop3A_37 : memref<5128xf32, #tpu.memory_space<vmem>>[vector<16xi32>], vector<16xf32>,
      %parallel_loop3A_38 = arith.index_cast %parallel_loop3A_31 : i32 to index
      %parallel_loop3A_39 = tpu.vector_load %arg12[%parallel_loop3A_38] {strides = array<i32>} : memref<2048xf32, #tpu.memory_space<vmem>>, vector<16xf32>,
      tpu.vector_store_idx %arg13[%parallel_loop3A_35], %parallel_loop3A_39 : memref<5128xf32, #tpu.memory_space<vmem>>[vector<16xi32>], vector<16xf32>,
    } {sc.loop_unroll_factor = 4 : i64, sc.parallel_access}
    %dma_wait3A = arith.constant 0 : i32
    %dma_wait3A_14 = tpu.memref_slice %arg2[%mul3A_4, %dma_wait3A] : memref<2048x1024xf32, #tpu.memory_space<hbm>> -> memref<64x1024xf32, #tpu.memory_space<hbm>>
    %dma_wait3A_15 = arith.constant 0 : i32
    %dma_wait3A_16 = tpu.memref_slice %arg2[%mul3A_4, %dma_wait3A_15] : memref<2048x1024xf32, #tpu.memory_space<hbm>> -> memref<64x1024xf32, #tpu.memory_space<hbm>>
    tpu.wait_dma2 semaphore(%arg17 : memref<!tpu.dma_semaphore, #tpu.memory_space<semaphore_mem>>) src(%dma_wait3A_16 : memref<64x1024xf32, #tpu.memory_space<hbm>>) dst(%arg16 : memref<64x1024xf32, #tpu.memory_space<vmem>>)
    %dma_start3A_17 = arith.constant 0 : i32
    %dma_start3A_18 = arith.constant 0 : i32
    %dma_start3A_19 = tpu.memref_slice %arg7[%dma_start3A_17, %dma_start3A_18] : memref<5440x1024xf32, #tpu.memory_space<hbm>> -> memref<5440x1024xf32, #tpu.memory_space<hbm>>
    tpu.enqueue_indirect_dma source(%arg16 : memref<64x1024xf32, #tpu.memory_space<vmem>>) target(%dma_start3A_19 : memref<5440x1024xf32, #tpu.memory_space<hbm>>) offsets(%arg14 : memref<64xi32, #tpu.memory_space<vmem>>) semaphore(%arg18 : memref<!tpu.dma_semaphore, #tpu.memory_space<semaphore_mem>>)
    %dma_start3A_20 = arith.constant 0 : i32
    %dma_start3A_21 = arith.constant 0 : i32
    %dma_start3A_22 = tpu.memref_slice %arg7[%dma_start3A_20, %dma_start3A_21] : memref<5440x1024xf32, #tpu.memory_space<hbm>> -> memref<5440x1024xf32, #tpu.memory_space<hbm>>
    tpu.enqueue_indirect_dma source(%arg16 : memref<64x1024xf32, #tpu.memory_space<vmem>>) target(%dma_start3A_22 : memref<5440x1024xf32, #tpu.memory_space<hbm>>) offsets(%arg15 : memref<64xi32, #tpu.memory_space<vmem>>) semaphore(%arg19 : memref<!tpu.dma_semaphore, #tpu.memory_space<semaphore_mem>>)
    "tpu.region"() ({
      %run_scoped3A = tpu.sem_alloc : memref<!tpu.dma_semaphore, #tpu.memory_space<semaphore_mem>>
      %dma_start3A_29 = tpu.memref_slice %arg13[%mul3A_2] : memref<5128xf32, #tpu.memory_space<vmem>> -> memref<160xf32, #tpu.memory_space<vmem>>
      %dma_start3A_30 = tpu.memref_slice %arg8[%mul3A_2] : memref<5120xf32, #tpu.memory_space<hbm>> -> memref<160xf32, #tpu.memory_space<hbm>>
      %dma_start3A_31 = tpu.memref_slice %arg8[%mul3A_2] : memref<5120xf32, #tpu.memory_space<hbm>> -> memref<160xf32, #tpu.memory_space<hbm>>
      %dma_start3A_32 = tpu.memref_slice %arg13[%mul3A_2] : memref<5128xf32, #tpu.memory_space<vmem>> -> memref<160xf32, #tpu.memory_space<vmem>>
      tpu.enqueue_dma source(%dma_start3A_32 : memref<160xf32, #tpu.memory_space<vmem>>) target(%dma_start3A_31 : memref<160xf32, #tpu.memory_space<hbm>>) target_semaphore(%run_scoped3A : memref<!tpu.dma_semaphore, #tpu.memory_space<semaphore_mem>>)
      %dma_wait3A_33 = tpu.memref_slice %arg13[%mul3A_2] : memref<5128xf32, #tpu.memory_space<vmem>> -> memref<160xf32, #tpu.memory_space<vmem>>
      %dma_wait3A_34 = tpu.memref_slice %arg8[%mul3A_2] : memref<5120xf32, #tpu.memory_space<hbm>> -> memref<160xf32, #tpu.memory_space<hbm>>
      %dma_wait3A_35 = tpu.memref_slice %arg8[%mul3A_2] : memref<5120xf32, #tpu.memory_space<hbm>> -> memref<160xf32, #tpu.memory_space<hbm>>
      %dma_wait3A_36 = tpu.memref_slice %arg13[%mul3A_2] : memref<5128xf32, #tpu.memory_space<vmem>> -> memref<160xf32, #tpu.memory_space<vmem>>
      tpu.wait_dma2 semaphore(%run_scoped3A : memref<!tpu.dma_semaphore, #tpu.memory_space<semaphore_mem>>) src(%dma_wait3A_36 : memref<160xf32, #tpu.memory_space<vmem>>) dst(%dma_wait3A_35 : memref<160xf32, #tpu.memory_space<hbm>>)
      tpu.yield
    }) : () -> ()
    %dma_wait3A_23 = arith.constant 0 : i32
    %dma_wait3A_24 = arith.constant 0 : i32
    %dma_wait3A_25 = tpu.memref_slice %arg7[%dma_wait3A_23, %dma_wait3A_24] : memref<5440x1024xf32, #tpu.memory_space<hbm>> -> memref<5440x1024xf32, #tpu.memory_space<hbm>>
    tpu.wait_indirect_dma semaphore(%arg18 : memref<!tpu.dma_semaphore, #tpu.memory_space<semaphore_mem>>) src(%arg16 : memref<64x1024xf32, #tpu.memory_space<vmem>>) dst(%dma_wait3A_25 : memref<5440x1024xf32, #tpu.memory_space<hbm>>)
    %dma_wait3A_26 = arith.constant 0 : i32
    %dma_wait3A_27 = arith.constant 0 : i32
    %dma_wait3A_28 = tpu.memref_slice %arg7[%dma_wait3A_26, %dma_wait3A_27] : memref<5440x1024xf32, #tpu.memory_space<hbm>> -> memref<5440x1024xf32, #tpu.memory_space<hbm>>
    tpu.wait_indirect_dma semaphore(%arg19 : memref<!tpu.dma_semaphore, #tpu.memory_space<semaphore_mem>>) src(%arg16 : memref<64x1024xf32, #tpu.memory_space<vmem>>) dst(%dma_wait3A_28 : memref<5440x1024xf32, #tpu.memory_space<hbm>>)
    return
  }
}

#map = affine_map<(d0, d1) -> (0, 0)>
#map1 = affine_map<(d0, d1) -> (0)>
module attributes {stable_mosaic.version = 14 : i64} {
  func.func @_combine_body(%arg0: i32, %arg1: i32, %arg2: memref<5440x1024xf32, #tpu.memory_space<hbm>>, %arg3: memref<2048xi32, #tpu.memory_space<hbm>>, %arg4: memref<2048xi32, #tpu.memory_space<hbm>>, %arg5: memref<2048x1024xf32, #tpu.memory_space<hbm>>, %arg6: memref<64xi32, #tpu.memory_space<vmem>>, %arg7: memref<64xi32, #tpu.memory_space<vmem>>, %arg8: memref<32x1024xf32, #tpu.memory_space<vmem>>, %arg9: memref<32x1024xf32, #tpu.memory_space<vmem>>, %arg10: memref<!tpu.dma_semaphore, #tpu.memory_space<semaphore_mem>>, %arg11: memref<!tpu.dma_semaphore, #tpu.memory_space<semaphore_mem>>) attributes {dimension_semantics = [#tpu.dimension_semantics<core_parallel>, #tpu.dimension_semantics<subcore_parallel>], iteration_bounds = array<i64: 2, 16>, scalar_prefetch = 0 : i64, scratch_operands = 6 : i64, tpu.core_type = #tpu.core_type<sc_vector_subcore>, window_params = [{transform_indices = #map}, {transform_indices = #map1}, {transform_indices = #map1}, {transform_indices = #map}]} {
    %mul3A = arith.constant 16 : i32
    %mul3A_0 = arith.muli %arg0, %mul3A : i32
    %add3A = arith.addi %mul3A_0, %arg1 : i32
    %mul3A_1 = arith.constant 64 : i32
    %mul3A_2 = arith.muli %add3A, %mul3A_1 : i32
    "tpu.region"() ({
      %run_scoped3A = tpu.sem_alloc : memref<!tpu.dma_semaphore, #tpu.memory_space<semaphore_mem>>
      %dma_start3A = tpu.memref_slice %arg3[%mul3A_2] : memref<2048xi32, #tpu.memory_space<hbm>> -> memref<64xi32, #tpu.memory_space<hbm>>
      %dma_start3A_8 = tpu.memref_slice %arg3[%mul3A_2] : memref<2048xi32, #tpu.memory_space<hbm>> -> memref<64xi32, #tpu.memory_space<hbm>>
      tpu.enqueue_dma source(%dma_start3A_8 : memref<64xi32, #tpu.memory_space<hbm>>) target(%arg6 : memref<64xi32, #tpu.memory_space<vmem>>) target_semaphore(%run_scoped3A : memref<!tpu.dma_semaphore, #tpu.memory_space<semaphore_mem>>)
      %dma_wait3A = tpu.memref_slice %arg3[%mul3A_2] : memref<2048xi32, #tpu.memory_space<hbm>> -> memref<64xi32, #tpu.memory_space<hbm>>
      %dma_wait3A_9 = tpu.memref_slice %arg3[%mul3A_2] : memref<2048xi32, #tpu.memory_space<hbm>> -> memref<64xi32, #tpu.memory_space<hbm>>
      tpu.wait_dma2 semaphore(%run_scoped3A : memref<!tpu.dma_semaphore, #tpu.memory_space<semaphore_mem>>) src(%dma_wait3A_9 : memref<64xi32, #tpu.memory_space<hbm>>) dst(%arg6 : memref<64xi32, #tpu.memory_space<vmem>>)
      tpu.yield
    }) : () -> ()
    "tpu.region"() ({
      %run_scoped3A = tpu.sem_alloc : memref<!tpu.dma_semaphore, #tpu.memory_space<semaphore_mem>>
      %dma_start3A = tpu.memref_slice %arg4[%mul3A_2] : memref<2048xi32, #tpu.memory_space<hbm>> -> memref<64xi32, #tpu.memory_space<hbm>>
      %dma_start3A_8 = tpu.memref_slice %arg4[%mul3A_2] : memref<2048xi32, #tpu.memory_space<hbm>> -> memref<64xi32, #tpu.memory_space<hbm>>
      tpu.enqueue_dma source(%dma_start3A_8 : memref<64xi32, #tpu.memory_space<hbm>>) target(%arg7 : memref<64xi32, #tpu.memory_space<vmem>>) target_semaphore(%run_scoped3A : memref<!tpu.dma_semaphore, #tpu.memory_space<semaphore_mem>>)
      %dma_wait3A = tpu.memref_slice %arg4[%mul3A_2] : memref<2048xi32, #tpu.memory_space<hbm>> -> memref<64xi32, #tpu.memory_space<hbm>>
      %dma_wait3A_9 = tpu.memref_slice %arg4[%mul3A_2] : memref<2048xi32, #tpu.memory_space<hbm>> -> memref<64xi32, #tpu.memory_space<hbm>>
      tpu.wait_dma2 semaphore(%run_scoped3A : memref<!tpu.dma_semaphore, #tpu.memory_space<semaphore_mem>>) src(%dma_wait3A_9 : memref<64xi32, #tpu.memory_space<hbm>>) dst(%arg7 : memref<64xi32, #tpu.memory_space<vmem>>)
      tpu.yield
    }) : () -> ()
    %scan3A = arith.constant 0 : i32
    %scan3A_3 = arith.constant 0 : i32
    %scan3A_4 = arith.constant 2 : i32
    %scan3A_5 = arith.addi %scan3A_3, %scan3A_4 : i32
    %scan3A_6 = arith.constant 1 : i32
    scf.for %scan3A_8 = %scan3A_3 to %scan3A_5 step %scan3A_6  : i32 {
      %mul3A_9 = arith.constant 32 : i32
      %mul3A_10 = arith.muli %scan3A_8, %mul3A_9 : i32
      %dma_start3A = tpu.memref_slice %arg6[%mul3A_10] : memref<64xi32, #tpu.memory_space<vmem>> -> memref<32xi32, #tpu.memory_space<vmem>>
      %dma_start3A_11 = arith.constant 0 : i32
      %dma_start3A_12 = arith.constant 0 : i32
      %dma_start3A_13 = tpu.memref_slice %arg2[%dma_start3A_11, %dma_start3A_12] : memref<5440x1024xf32, #tpu.memory_space<hbm>> -> memref<5440x1024xf32, #tpu.memory_space<hbm>>
      tpu.enqueue_indirect_dma source(%dma_start3A_13 : memref<5440x1024xf32, #tpu.memory_space<hbm>>) target(%arg8 : memref<32x1024xf32, #tpu.memory_space<vmem>>) offsets(%dma_start3A : memref<32xi32, #tpu.memory_space<vmem>>) semaphore(%arg10 : memref<!tpu.dma_semaphore, #tpu.memory_space<semaphore_mem>>)
      %dma_start3A_14 = tpu.memref_slice %arg7[%mul3A_10] : memref<64xi32, #tpu.memory_space<vmem>> -> memref<32xi32, #tpu.memory_space<vmem>>
      %dma_start3A_15 = arith.constant 0 : i32
      %dma_start3A_16 = arith.constant 0 : i32
      %dma_start3A_17 = tpu.memref_slice %arg2[%dma_start3A_15, %dma_start3A_16] : memref<5440x1024xf32, #tpu.memory_space<hbm>> -> memref<5440x1024xf32, #tpu.memory_space<hbm>>
      tpu.enqueue_indirect_dma source(%dma_start3A_17 : memref<5440x1024xf32, #tpu.memory_space<hbm>>) target(%arg9 : memref<32x1024xf32, #tpu.memory_space<vmem>>) offsets(%dma_start3A_14 : memref<32xi32, #tpu.memory_space<vmem>>) semaphore(%arg11 : memref<!tpu.dma_semaphore, #tpu.memory_space<semaphore_mem>>)
      %dma_wait3A = tpu.memref_slice %arg6[%mul3A_10] : memref<64xi32, #tpu.memory_space<vmem>> -> memref<32xi32, #tpu.memory_space<vmem>>
      %dma_wait3A_18 = arith.constant 0 : i32
      %dma_wait3A_19 = arith.constant 0 : i32
      %dma_wait3A_20 = tpu.memref_slice %arg2[%dma_wait3A_18, %dma_wait3A_19] : memref<5440x1024xf32, #tpu.memory_space<hbm>> -> memref<5440x1024xf32, #tpu.memory_space<hbm>>
      tpu.wait_indirect_dma semaphore(%arg10 : memref<!tpu.dma_semaphore, #tpu.memory_space<semaphore_mem>>) src(%dma_wait3A_20 : memref<5440x1024xf32, #tpu.memory_space<hbm>>) dst(%arg8 : memref<32x1024xf32, #tpu.memory_space<vmem>>)
      %dma_wait3A_21 = tpu.memref_slice %arg7[%mul3A_10] : memref<64xi32, #tpu.memory_space<vmem>> -> memref<32xi32, #tpu.memory_space<vmem>>
      %dma_wait3A_22 = arith.constant 0 : i32
      %dma_wait3A_23 = arith.constant 0 : i32
      %dma_wait3A_24 = tpu.memref_slice %arg2[%dma_wait3A_22, %dma_wait3A_23] : memref<5440x1024xf32, #tpu.memory_space<hbm>> -> memref<5440x1024xf32, #tpu.memory_space<hbm>>
      tpu.wait_indirect_dma semaphore(%arg11 : memref<!tpu.dma_semaphore, #tpu.memory_space<semaphore_mem>>) src(%dma_wait3A_24 : memref<5440x1024xf32, #tpu.memory_space<hbm>>) dst(%arg9 : memref<32x1024xf32, #tpu.memory_space<vmem>>)
      %parallel_loop3A = arith.constant 0 : i32
      %parallel_loop3A_25 = arith.constant 2048 : i32
      %parallel_loop3A_26 = arith.constant 1 : i32
      scf.for %parallel_loop3A_28 = %parallel_loop3A to %parallel_loop3A_25 step %parallel_loop3A_26  : i32 {
        %parallel_loop3A_29 = arith.constant 64 : i32
        %parallel_loop3A_30 = arith.divsi %parallel_loop3A_28, %parallel_loop3A_29 : i32
        %parallel_loop3A_31 = arith.constant 0 : i32
        %parallel_loop3A_32 = arith.cmpi sgt, %parallel_loop3A_28, %parallel_loop3A_31 : i32
        %parallel_loop3A_33 = arith.extui %parallel_loop3A_32 : i1 to i32
        %parallel_loop3A_34 = arith.constant 0 : i32
        %parallel_loop3A_35 = arith.cmpi slt, %parallel_loop3A_28, %parallel_loop3A_34 : i32
        %parallel_loop3A_36 = arith.extui %parallel_loop3A_35 : i1 to i32
        %parallel_loop3A_37 = arith.subi %parallel_loop3A_33, %parallel_loop3A_36 : i32
        %parallel_loop3A_38 = arith.constant 0 : i32
        %parallel_loop3A_39 = arith.cmpi sgt, %parallel_loop3A_29, %parallel_loop3A_38 : i32
        %parallel_loop3A_40 = arith.extui %parallel_loop3A_39 : i1 to i32
        %parallel_loop3A_41 = arith.constant 0 : i32
        %parallel_loop3A_42 = arith.cmpi slt, %parallel_loop3A_29, %parallel_loop3A_41 : i32
        %parallel_loop3A_43 = arith.extui %parallel_loop3A_42 : i1 to i32
        %parallel_loop3A_44 = arith.subi %parallel_loop3A_40, %parallel_loop3A_43 : i32
        %parallel_loop3A_45 = arith.cmpi ne, %parallel_loop3A_37, %parallel_loop3A_44 : i32
        %parallel_loop3A_46 = arith.remsi %parallel_loop3A_28, %parallel_loop3A_29 : i32
        %parallel_loop3A_47 = arith.constant 0 : i32
        %parallel_loop3A_48 = arith.cmpi ne, %parallel_loop3A_46, %parallel_loop3A_47 : i32
        %parallel_loop3A_49 = arith.andi %parallel_loop3A_45, %parallel_loop3A_48 : i1
        %parallel_loop3A_50 = arith.constant 1 : i32
        %parallel_loop3A_51 = arith.subi %parallel_loop3A_30, %parallel_loop3A_50 : i32
        %parallel_loop3A_52 = arith.select %parallel_loop3A_49, %parallel_loop3A_51, %parallel_loop3A_30 : i32
        %parallel_loop3A_53 = arith.constant 64 : i32
        %parallel_loop3A_54 = arith.constant 0 : i32
        %parallel_loop3A_55 = arith.cmpi eq, %parallel_loop3A_53, %parallel_loop3A_54 : i32
        %parallel_loop3A_56 = arith.constant 1 : i32
        %parallel_loop3A_57 = arith.select %parallel_loop3A_55, %parallel_loop3A_56, %parallel_loop3A_53 : i32
        %parallel_loop3A_58 = arith.remsi %parallel_loop3A_28, %parallel_loop3A_57 : i32
        %parallel_loop3A_59 = arith.constant 0 : i32
        %parallel_loop3A_60 = arith.cmpi ne, %parallel_loop3A_58, %parallel_loop3A_59 : i32
        %parallel_loop3A_61 = arith.constant 0 : i32
        %parallel_loop3A_62 = arith.cmpi slt, %parallel_loop3A_58, %parallel_loop3A_61 : i32
        %parallel_loop3A_63 = arith.constant 0 : i32
        %parallel_loop3A_64 = arith.cmpi slt, %parallel_loop3A_57, %parallel_loop3A_63 : i32
        %parallel_loop3A_65 = arith.xori %parallel_loop3A_62, %parallel_loop3A_64 : i1
        %parallel_loop3A_66 = arith.andi %parallel_loop3A_65, %parallel_loop3A_60 : i1
        %parallel_loop3A_67 = arith.addi %parallel_loop3A_58, %parallel_loop3A_57 : i32
        %parallel_loop3A_68 = arith.select %parallel_loop3A_66, %parallel_loop3A_67, %parallel_loop3A_58 : i32
        %parallel_loop3A_69 = arith.constant 16 : i32
        %parallel_loop3A_70 = arith.muli %parallel_loop3A_68, %parallel_loop3A_69 : i32
        %parallel_loop3A_71 = arith.index_cast %parallel_loop3A_52 : i32 to index
        %parallel_loop3A_72 = arith.index_cast %parallel_loop3A_70 : i32 to index
        %parallel_loop3A_73 = tpu.vector_load %arg8[%parallel_loop3A_71, %parallel_loop3A_72] {strides = array<i32>} : memref<32x1024xf32, #tpu.memory_space<vmem>>, vector<16xf32>,
        %parallel_loop3A_74 = arith.index_cast %parallel_loop3A_52 : i32 to index
        %parallel_loop3A_75 = arith.index_cast %parallel_loop3A_70 : i32 to index
        %parallel_loop3A_76 = tpu.vector_load %arg9[%parallel_loop3A_74, %parallel_loop3A_75] {strides = array<i32>} : memref<32x1024xf32, #tpu.memory_space<vmem>>, vector<16xf32>,
        %parallel_loop3A_77 = arith.addf %parallel_loop3A_73, %parallel_loop3A_76 : vector<16xf32>
        %parallel_loop3A_78 = arith.index_cast %parallel_loop3A_52 : i32 to index
        %parallel_loop3A_79 = arith.index_cast %parallel_loop3A_70 : i32 to index
        %parallel_loop3A_80 = tpu.vector_load %arg8[%parallel_loop3A_78, %parallel_loop3A_79] {strides = array<i32>} : memref<32x1024xf32, #tpu.memory_space<vmem>>, vector<16xf32>,
        tpu.vector_store %arg8[%parallel_loop3A_78, %parallel_loop3A_79], %parallel_loop3A_77 {strides = array<i32>} : memref<32x1024xf32, #tpu.memory_space<vmem>>, vector<16xf32>,
      } {sc.loop_unroll_factor = 8 : i64, sc.parallel_access}
      %add3A_27 = arith.addi %mul3A_2, %mul3A_10 : i32
      "tpu.region"() ({
        %run_scoped3A = tpu.sem_alloc : memref<!tpu.dma_semaphore, #tpu.memory_space<semaphore_mem>>
        %dma_start3A_28 = arith.constant 0 : i32
        %dma_start3A_29 = tpu.memref_slice %arg5[%add3A_27, %dma_start3A_28] : memref<2048x1024xf32, #tpu.memory_space<hbm>> -> memref<32x1024xf32, #tpu.memory_space<hbm>>
        %dma_start3A_30 = arith.constant 0 : i32
        %dma_start3A_31 = tpu.memref_slice %arg5[%add3A_27, %dma_start3A_30] : memref<2048x1024xf32, #tpu.memory_space<hbm>> -> memref<32x1024xf32, #tpu.memory_space<hbm>>
        tpu.enqueue_dma source(%arg8 : memref<32x1024xf32, #tpu.memory_space<vmem>>) target(%dma_start3A_31 : memref<32x1024xf32, #tpu.memory_space<hbm>>) target_semaphore(%run_scoped3A : memref<!tpu.dma_semaphore, #tpu.memory_space<semaphore_mem>>)
        %dma_wait3A_32 = arith.constant 0 : i32
        %dma_wait3A_33 = tpu.memref_slice %arg5[%add3A_27, %dma_wait3A_32] : memref<2048x1024xf32, #tpu.memory_space<hbm>> -> memref<32x1024xf32, #tpu.memory_space<hbm>>
        %dma_wait3A_34 = arith.constant 0 : i32
        %dma_wait3A_35 = tpu.memref_slice %arg5[%add3A_27, %dma_wait3A_34] : memref<2048x1024xf32, #tpu.memory_space<hbm>> -> memref<32x1024xf32, #tpu.memory_space<hbm>>
        tpu.wait_dma2 semaphore(%run_scoped3A : memref<!tpu.dma_semaphore, #tpu.memory_space<semaphore_mem>>) src(%arg8 : memref<32x1024xf32, #tpu.memory_space<vmem>>) dst(%dma_wait3A_35 : memref<32x1024xf32, #tpu.memory_space<hbm>>)
        tpu.yield
      }) : () -> ()
    }
    %scan3A_7 = arith.constant 2 : i32
    return
  }
}

module attributes {stable_mosaic.version = 14 : i64} {
  func.func @_route_body(%arg0: i32, %arg1: memref<256x1024xf32, #tpu.memory_space<vmem>>, %arg2: memref<1024x4xf32, #tpu.memory_space<vmem>>, %arg3: memref<4x1024x4xf32, #tpu.memory_space<vmem>>, %arg4: memref<1x1x256xi32, #tpu.memory_space<vmem>>, %arg5: memref<1x1x256xi32, #tpu.memory_space<vmem>>, %arg6: memref<1x1x256xf32, #tpu.memory_space<vmem>>, %arg7: memref<1x1x256xf32, #tpu.memory_space<vmem>>, %arg8: memref<8x128xf32, #tpu.memory_space<vmem>>) attributes {dimension_semantics = [#tpu.dimension_semantics<arbitrary>], iteration_bounds = array<i64: 8>, scalar_prefetch = 0 : i64, scratch_operands = 1 : i64, tpu.core_type = #tpu.core_type<tc>, window_params = [{transform_indices = @transform_0, window_bounds = array<i64: 256, 1024>}, {pipeline_mode = #tpu.pipeline_mode<synchronous>, transform_indices = @transform_1, window_bounds = array<i64: 1024, 4>}, {pipeline_mode = #tpu.pipeline_mode<synchronous>, transform_indices = @transform_2, window_bounds = array<i64: 4, 1024, 4>}, {transform_indices = @transform_3, window_bounds = array<i64: 1, 1, 256>}, {transform_indices = @transform_4, window_bounds = array<i64: 1, 1, 256>}, {transform_indices = @transform_5, window_bounds = array<i64: 1, 1, 256>}, {transform_indices = @transform_6, window_bounds = array<i64: 1, 1, 256>}]} {
    %eq3A = arith.constant 0 : i32
    %eq3A_0 = arith.cmpi eq, %arg0, %eq3A : i32
    %convert_element_type3A = arith.extui %eq3A_0 : i1 to i32
    %cond3A = arith.constant 0 : i32
    %cond3A_1 = arith.cmpi ne, %convert_element_type3A, %cond3A : i32
    scf.if %cond3A_1 {
      %broadcast_in_dim3A_178 = arith.constant 0.000000e+00 : f32
      %broadcast_in_dim3A_179 = vector.broadcast %broadcast_in_dim3A_178 : f32 to vector<8x128xf32>
      %swap3A_180 = arith.constant 0 : index
      %swap3A_181 = arith.constant 0 : index
      %swap3A_182 = vector.load %arg8[%swap3A_180, %swap3A_181] : memref<8x128xf32, #tpu.memory_space<vmem>>, vector<8x128xf32>
      tpu.vector_store %arg8[%swap3A_180, %swap3A_181], %broadcast_in_dim3A_179 {strides = array<i32>} : memref<8x128xf32, #tpu.memory_space<vmem>>, vector<8x128xf32>,
    } else {
    }
    %get3A = arith.constant 0 : index
    %get3A_2 = arith.constant 0 : index
    %get3A_3 = vector.load %arg1[%get3A, %get3A_2] : memref<256x1024xf32, #tpu.memory_space<vmem>>, vector<256x1024xf32>
    %get3A_4 = arith.constant 0 : index
    %get3A_5 = arith.constant 0 : index
    %get3A_6 = vector.load %arg2[%get3A_4, %get3A_5] : memref<1024x4xf32, #tpu.memory_space<vmem>>, vector<1024x4xf32>
    %dot_general3A = arith.constant dense<0.000000e+00> : vector<256x4xf32>
    %dot_general3A_7 = tpu.matmul %get3A_3, %get3A_6, %dot_general3A {dimension_numbers = #tpu.dot_dimension_numbers<[1], [0], [0], [1], [0, 0, 1, 1], [], []>, transpose_lhs_hint = false} : vector<256x1024xf32>, vector<1024x4xf32>, vector<256x4xf32> -> vector<256x4xf32>
    %reduce_max3A = arith.constant dense<0xFF800000> : vector<256xf32>
    %reduce_max3A_8 = vector.multi_reduction <maximumf>, %dot_general3A_7, %reduce_max3A [1] : vector<256x4xf32> to vector<256xf32>
    %broadcast_in_dim3A = vector.shape_cast %reduce_max3A_8 : vector<256xf32> to vector<256x1xf32>
    %sub3A = vector.broadcast %broadcast_in_dim3A : vector<256x1xf32> to vector<256x4xf32>
    %sub3A_9 = arith.subf %dot_general3A_7, %sub3A : vector<256x4xf32>
    %exp3A = math.exp %sub3A_9 : vector<256x4xf32>
    %reduce_sum3A = arith.constant dense<0.000000e+00> : vector<256xf32>
    %reduce_sum3A_10 = vector.multi_reduction <add>, %exp3A, %reduce_sum3A [1] : vector<256x4xf32> to vector<256xf32>
    %broadcast_in_dim3A_11 = vector.shape_cast %reduce_sum3A_10 : vector<256xf32> to vector<256x1xf32>
    %div3A = vector.broadcast %broadcast_in_dim3A_11 : vector<256x1xf32> to vector<256x4xf32>
    %div3A_12 = arith.divf %exp3A, %div3A : vector<256x4xf32>
    %argmax3A = tpu.reduce_index %div3A_12 {axis = 1 : i32, kind = #tpu.reduction_kind<arg_max>} : vector<256x4xf32> -> vector<256xi32>
    %reduce_max3A_13 = arith.constant dense<0xFF800000> : vector<256xf32>
    %reduce_max3A_14 = vector.multi_reduction <maximumf>, %div3A_12, %reduce_max3A_13 [1] : vector<256x4xf32> to vector<256xf32>
    %get3A_15 = arith.constant 0 : index
    %get3A_16 = arith.constant 0 : index
    %get3A_17 = arith.constant 0 : index
    %get3A_18 = vector.load %arg3[%get3A_15, %get3A_16, %get3A_17] : memref<4x1024x4xf32, #tpu.memory_space<vmem>>, vector<1x1024x4xf32>
    %get3A_19 = vector.shape_cast %get3A_18 : vector<1x1024x4xf32> to vector<1024x4xf32>
    %dot_general3A_20 = arith.constant dense<0.000000e+00> : vector<256x4xf32>
    %dot_general3A_21 = tpu.matmul %get3A_3, %get3A_19, %dot_general3A_20 {dimension_numbers = #tpu.dot_dimension_numbers<[1], [0], [0], [1], [0, 0, 1, 1], [], []>, transpose_lhs_hint = false} : vector<256x1024xf32>, vector<1024x4xf32>, vector<256x4xf32> -> vector<256x4xf32>
    %get3A_22 = arith.constant 1 : index
    %get3A_23 = arith.constant 0 : index
    %get3A_24 = arith.constant 0 : index
    %get3A_25 = vector.load %arg3[%get3A_22, %get3A_23, %get3A_24] : memref<4x1024x4xf32, #tpu.memory_space<vmem>>, vector<1x1024x4xf32>
    %get3A_26 = vector.shape_cast %get3A_25 : vector<1x1024x4xf32> to vector<1024x4xf32>
    %dot_general3A_27 = arith.constant dense<0.000000e+00> : vector<256x4xf32>
    %dot_general3A_28 = tpu.matmul %get3A_3, %get3A_26, %dot_general3A_27 {dimension_numbers = #tpu.dot_dimension_numbers<[1], [0], [0], [1], [0, 0, 1, 1], [], []>, transpose_lhs_hint = false} : vector<256x1024xf32>, vector<1024x4xf32>, vector<256x4xf32> -> vector<256x4xf32>
    %get3A_29 = arith.constant 2 : index
    %get3A_30 = arith.constant 0 : index
    %get3A_31 = arith.constant 0 : index
    %get3A_32 = vector.load %arg3[%get3A_29, %get3A_30, %get3A_31] : memref<4x1024x4xf32, #tpu.memory_space<vmem>>, vector<1x1024x4xf32>
    %get3A_33 = vector.shape_cast %get3A_32 : vector<1x1024x4xf32> to vector<1024x4xf32>
    %dot_general3A_34 = arith.constant dense<0.000000e+00> : vector<256x4xf32>
    %dot_general3A_35 = tpu.matmul %get3A_3, %get3A_33, %dot_general3A_34 {dimension_numbers = #tpu.dot_dimension_numbers<[1], [0], [0], [1], [0, 0, 1, 1], [], []>, transpose_lhs_hint = false} : vector<256x1024xf32>, vector<1024x4xf32>, vector<256x4xf32> -> vector<256x4xf32>
    %get3A_36 = arith.constant 3 : index
    %get3A_37 = arith.constant 0 : index
    %get3A_38 = arith.constant 0 : index
    %get3A_39 = vector.load %arg3[%get3A_36, %get3A_37, %get3A_38] : memref<4x1024x4xf32, #tpu.memory_space<vmem>>, vector<1x1024x4xf32>
    %get3A_40 = vector.shape_cast %get3A_39 : vector<1x1024x4xf32> to vector<1024x4xf32>
    %dot_general3A_41 = arith.constant dense<0.000000e+00> : vector<256x4xf32>
    %dot_general3A_42 = tpu.matmul %get3A_3, %get3A_40, %dot_general3A_41 {dimension_numbers = #tpu.dot_dimension_numbers<[1], [0], [0], [1], [0, 0, 1, 1], [], []>, transpose_lhs_hint = false} : vector<256x1024xf32>, vector<1024x4xf32>, vector<256x4xf32> -> vector<256x4xf32>
    %concatenate3A = tpu.concatenate %dot_general3A_21, %dot_general3A_28, %dot_general3A_35, %dot_general3A_42 in 1 : vector<256x4xf32>, vector<256x4xf32>, vector<256x4xf32>, vector<256x4xf32> -> vector<256x16xf32>
    %iota3A = tpu.iota {dimensions = array<i32: 1>} : vector<256x16xi32>
    %jit3A = arith.constant 4 : i32
    %div3A_43 = vector.broadcast %jit3A : i32 to vector<256x16xi32>
    %div3A_44 = arith.divsi %iota3A, %div3A_43 : vector<256x16xi32>
    %sign3A = arith.constant 0 : i32
    %sign3A_45 = vector.broadcast %sign3A : i32 to vector<256x16xi32>
    %sign3A_46 = arith.cmpi sgt, %iota3A, %sign3A_45 : vector<256x16xi32>
    %sign3A_47 = arith.extui %sign3A_46 : vector<256x16xi1> to vector<256x16xi32>
    %sign3A_48 = arith.constant 0 : i32
    %sign3A_49 = vector.broadcast %sign3A_48 : i32 to vector<256x16xi32>
    %sign3A_50 = arith.cmpi slt, %iota3A, %sign3A_49 : vector<256x16xi32>
    %sign3A_51 = arith.extui %sign3A_50 : vector<256x16xi1> to vector<256x16xi32>
    %sign3A_52 = arith.subi %sign3A_47, %sign3A_51 : vector<256x16xi32>
    %sign3A_53 = arith.constant 0 : i32
    %sign3A_54 = arith.cmpi sgt, %jit3A, %sign3A_53 : i32
    %sign3A_55 = arith.extui %sign3A_54 : i1 to i32
    %sign3A_56 = arith.constant 0 : i32
    %sign3A_57 = arith.cmpi slt, %jit3A, %sign3A_56 : i32
    %sign3A_58 = arith.extui %sign3A_57 : i1 to i32
    %sign3A_59 = arith.subi %sign3A_55, %sign3A_58 : i32
    %ne3A = vector.broadcast %sign3A_59 : i32 to vector<256x16xi32>
    %ne3A_60 = arith.cmpi ne, %sign3A_52, %ne3A : vector<256x16xi32>
    %rem3A = vector.broadcast %jit3A : i32 to vector<256x16xi32>
    %rem3A_61 = arith.remsi %iota3A, %rem3A : vector<256x16xi32>
    %ne3A_62 = arith.constant 0 : i32
    %ne3A_63 = vector.broadcast %ne3A_62 : i32 to vector<256x16xi32>
    %ne3A_64 = arith.cmpi ne, %rem3A_61, %ne3A_63 : vector<256x16xi32>
    %and3A = arith.andi %ne3A_60, %ne3A_64 : vector<256x16xi1>
    %sub3A_65 = arith.constant 1 : i32
    %sub3A_66 = vector.broadcast %sub3A_65 : i32 to vector<256x16xi32>
    %sub3A_67 = arith.subi %div3A_44, %sub3A_66 : vector<256x16xi32>
    %select_n3A = arith.select %and3A, %sub3A_67, %div3A_44 : vector<256x16xi1>, vector<256x16xi32>
    %broadcast_in_dim3A_68 = vector.shape_cast %argmax3A : vector<256xi32> to vector<256x1xi32>
    %eq3A_69 = vector.broadcast %broadcast_in_dim3A_68 : vector<256x1xi32> to vector<256x16xi32>
    %eq3A_70 = arith.cmpi eq, %select_n3A, %eq3A_69 : vector<256x16xi32>
    %jit3A_71 = arith.constant -1.000000e+30 : f32
    %broadcast_in_dim3A_72 = vector.broadcast %jit3A_71 : f32 to vector<256x16xf32>
    %select_n3A_73 = arith.select %eq3A_70, %concatenate3A, %broadcast_in_dim3A_72 : vector<256x16xi1>, vector<256x16xf32>
    %reduce_max3A_74 = arith.constant dense<0xFF800000> : vector<256xf32>
    %reduce_max3A_75 = vector.multi_reduction <maximumf>, %select_n3A_73, %reduce_max3A_74 [1] : vector<256x16xf32> to vector<256xf32>
    %broadcast_in_dim3A_76 = vector.shape_cast %reduce_max3A_75 : vector<256xf32> to vector<256x1xf32>
    %sub3A_77 = vector.broadcast %broadcast_in_dim3A_76 : vector<256x1xf32> to vector<256x16xf32>
    %sub3A_78 = arith.subf %select_n3A_73, %sub3A_77 : vector<256x16xf32>
    %exp3A_79 = math.exp %sub3A_78 : vector<256x16xf32>
    %reduce_sum3A_80 = arith.constant dense<0.000000e+00> : vector<256xf32>
    %reduce_sum3A_81 = vector.multi_reduction <add>, %exp3A_79, %reduce_sum3A_80 [1] : vector<256x16xf32> to vector<256xf32>
    %argmax3A_82 = tpu.reduce_index %select_n3A_73 {axis = 1 : i32, kind = #tpu.reduction_kind<arg_max>} : vector<256x16xf32> -> vector<256xi32>
    %broadcast_in_dim3A_83 = vector.shape_cast %argmax3A_82 : vector<256xi32> to vector<256x1xi32>
    %eq3A_84 = vector.broadcast %broadcast_in_dim3A_83 : vector<256x1xi32> to vector<256x16xi32>
    %eq3A_85 = arith.cmpi eq, %iota3A, %eq3A_84 : vector<256x16xi32>
    %jit3A_86 = arith.constant -1.000000e+30 : f32
    %broadcast_in_dim3A_87 = vector.broadcast %jit3A_86 : f32 to vector<256x16xf32>
    %select_n3A_88 = arith.select %eq3A_85, %broadcast_in_dim3A_87, %select_n3A_73 : vector<256x16xi1>, vector<256x16xf32>
    %argmax3A_89 = tpu.reduce_index %select_n3A_88 {axis = 1 : i32, kind = #tpu.reduction_kind<arg_max>} : vector<256x16xf32> -> vector<256xi32>
    %reduce_max3A_90 = arith.constant dense<0xFF800000> : vector<256xf32>
    %reduce_max3A_91 = vector.multi_reduction <maximumf>, %select_n3A_88, %reduce_max3A_90 [1] : vector<256x16xf32> to vector<256xf32>
    %div3A_92 = arith.constant 1.000000e+00 : f32
    %div3A_93 = vector.broadcast %div3A_92 : f32 to vector<256xf32>
    %div3A_94 = arith.divf %div3A_93, %reduce_sum3A_81 : vector<256xf32>
    %sub3A_95 = arith.subf %reduce_max3A_91, %reduce_max3A_75 : vector<256xf32>
    %exp3A_96 = math.exp %sub3A_95 : vector<256xf32>
    %div3A_97 = arith.divf %exp3A_96, %reduce_sum3A_81 : vector<256xf32>
    %add3A = arith.addf %div3A_94, %div3A_97 : vector<256xf32>
    %div3A_98 = arith.divf %div3A_94, %add3A : vector<256xf32>
    %mul3A = arith.mulf %div3A_98, %reduce_max3A_14 : vector<256xf32>
    %div3A_99 = arith.divf %div3A_97, %add3A : vector<256xf32>
    %mul3A_100 = arith.mulf %div3A_99, %reduce_max3A_14 : vector<256xf32>
    %broadcast_in_dim3A_101 = vector.shape_cast %argmax3A_82 : vector<256xi32> to vector<256x1xi32>
    %eq3A_102 = vector.broadcast %broadcast_in_dim3A_101 : vector<256x1xi32> to vector<256x16xi32>
    %eq3A_103 = arith.cmpi eq, %iota3A, %eq3A_102 : vector<256x16xi32>
    %convert_element_type3A_104 = arith.extui %eq3A_103 : vector<256x16xi1> to vector<256x16xi32>
    %convert_element_type3A_105 = arith.sitofp %convert_element_type3A_104 : vector<256x16xi32> to vector<256x16xf32>
    %broadcast_in_dim3A_106 = vector.shape_cast %argmax3A_89 : vector<256xi32> to vector<256x1xi32>
    %eq3A_107 = vector.broadcast %broadcast_in_dim3A_106 : vector<256x1xi32> to vector<256x16xi32>
    %eq3A_108 = arith.cmpi eq, %iota3A, %eq3A_107 : vector<256x16xi32>
    %convert_element_type3A_109 = arith.extui %eq3A_108 : vector<256x16xi1> to vector<256x16xi32>
    %convert_element_type3A_110 = arith.sitofp %convert_element_type3A_109 : vector<256x16xi32> to vector<256x16xf32>
    %add3A_111 = arith.addf %convert_element_type3A_105, %convert_element_type3A_110 : vector<256x16xf32>
    %iota3A_112 = tpu.iota {dimensions = array<i32: 0>} : vector<256x256xi32>
    %iota3A_113 = tpu.iota {dimensions = array<i32: 1>} : vector<256x256xi32>
    %gt3A = arith.cmpi sgt, %iota3A_112, %iota3A_113 : vector<256x256xi32>
    %convert_element_type3A_114 = arith.extui %gt3A : vector<256x256xi1> to vector<256x256xi32>
    %convert_element_type3A_115 = arith.sitofp %convert_element_type3A_114 : vector<256x256xi32> to vector<256x256xf32>
    %dot_general3A_116 = arith.constant dense<0.000000e+00> : vector<256x16xf32>
    %dot_general3A_117 = tpu.matmul %convert_element_type3A_115, %add3A_111, %dot_general3A_116 {dimension_numbers = #tpu.dot_dimension_numbers<[1], [0], [0], [1], [0, 0, 1, 1], [], []>, transpose_lhs_hint = false} : vector<256x256xf32>, vector<256x16xf32>, vector<256x16xf32> -> vector<256x16xf32>
    %get3A_118 = arith.constant 0 : index
    %get3A_119 = arith.constant 0 : index
    %get3A_120 = vector.load %arg8[%get3A_118, %get3A_119] : memref<8x128xf32, #tpu.memory_space<vmem>>, vector<1x16xf32>
    %add3A_121 = vector.broadcast %get3A_120 : vector<1x16xf32> to vector<256x16xf32>
    %add3A_122 = arith.addf %dot_general3A_117, %add3A_121 : vector<256x16xf32>
    %mul3A_123 = arith.mulf %convert_element_type3A_105, %add3A_122 : vector<256x16xf32>
    %reduce_sum3A_124 = arith.constant dense<0.000000e+00> : vector<256xf32>
    %reduce_sum3A_125 = vector.multi_reduction <add>, %mul3A_123, %reduce_sum3A_124 [1] : vector<256x16xf32> to vector<256xf32>
    %convert_element_type3A_126 = arith.fptosi %reduce_sum3A_125 : vector<256xf32> to vector<256xi32>
    %mul3A_127 = arith.mulf %convert_element_type3A_110, %add3A_122 : vector<256x16xf32>
    %reduce_sum3A_128 = arith.constant dense<0.000000e+00> : vector<256xf32>
    %reduce_sum3A_129 = vector.multi_reduction <add>, %mul3A_127, %reduce_sum3A_128 [1] : vector<256x16xf32> to vector<256xf32>
    %convert_element_type3A_130 = arith.fptosi %reduce_sum3A_129 : vector<256xf32> to vector<256xi32>
    %get3A_131 = arith.constant 0 : index
    %get3A_132 = arith.constant 0 : index
    %get3A_133 = vector.load %arg8[%get3A_131, %get3A_132] : memref<8x128xf32, #tpu.memory_space<vmem>>, vector<1x16xf32>
    %reduce_sum3A_134 = arith.constant dense<0.000000e+00> : vector<16xf32>
    %reduce_sum3A_135 = vector.multi_reduction <add>, %add3A_111, %reduce_sum3A_134 [0] : vector<256x16xf32> to vector<16xf32>
    %broadcast_in_dim3A_136 = vector.shape_cast %reduce_sum3A_135 : vector<16xf32> to vector<1x16xf32>
    %add3A_137 = arith.addf %get3A_133, %broadcast_in_dim3A_136 : vector<1x16xf32>
    %swap3A = arith.constant 0 : index
    %swap3A_138 = arith.constant 0 : index
    %swap3A_139 = vector.load %arg8[%swap3A, %swap3A_138] : memref<8x128xf32, #tpu.memory_space<vmem>>, vector<1x16xf32>
    tpu.vector_store %arg8[%swap3A, %swap3A_138], %add3A_137 {strides = array<i32>} : memref<8x128xf32, #tpu.memory_space<vmem>>, vector<1x16xf32>,
    %lt3A = arith.constant 320 : i32
    %lt3A_140 = vector.broadcast %lt3A : i32 to vector<256xi32>
    %lt3A_141 = arith.cmpi slt, %convert_element_type3A_126, %lt3A_140 : vector<256xi32>
    %mul3A_142 = arith.constant 320 : i32
    %mul3A_143 = vector.broadcast %mul3A_142 : i32 to vector<256xi32>
    %mul3A_144 = arith.muli %argmax3A_82, %mul3A_143 : vector<256xi32>
    %add3A_145 = arith.addi %mul3A_144, %convert_element_type3A_126 : vector<256xi32>
    %jit3A_146 = arith.constant 5120 : i32
    %broadcast_in_dim3A_147 = vector.broadcast %jit3A_146 : i32 to vector<256xi32>
    %select_n3A_148 = arith.select %lt3A_141, %add3A_145, %broadcast_in_dim3A_147 : vector<256xi1>, vector<256xi32>
    %lt3A_149 = arith.constant 320 : i32
    %lt3A_150 = vector.broadcast %lt3A_149 : i32 to vector<256xi32>
    %lt3A_151 = arith.cmpi slt, %convert_element_type3A_130, %lt3A_150 : vector<256xi32>
    %mul3A_152 = arith.constant 320 : i32
    %mul3A_153 = vector.broadcast %mul3A_152 : i32 to vector<256xi32>
    %mul3A_154 = arith.muli %argmax3A_89, %mul3A_153 : vector<256xi32>
    %add3A_155 = arith.addi %mul3A_154, %convert_element_type3A_130 : vector<256xi32>
    %jit3A_156 = arith.constant 5120 : i32
    %broadcast_in_dim3A_157 = vector.broadcast %jit3A_156 : i32 to vector<256xi32>
    %select_n3A_158 = arith.select %lt3A_151, %add3A_155, %broadcast_in_dim3A_157 : vector<256xi1>, vector<256xi32>
    %reshape3A = vector.shape_cast %select_n3A_148 : vector<256xi32> to vector<1x1x256xi32>
    %swap3A_159 = arith.constant 0 : index
    %swap3A_160 = arith.constant 0 : index
    %swap3A_161 = arith.constant 0 : index
    %swap3A_162 = vector.load %arg4[%swap3A_159, %swap3A_160, %swap3A_161] : memref<1x1x256xi32, #tpu.memory_space<vmem>>, vector<1x1x256xi32>
    tpu.vector_store %arg4[%swap3A_159, %swap3A_160, %swap3A_161], %reshape3A {strides = array<i32>} : memref<1x1x256xi32, #tpu.memory_space<vmem>>, vector<1x1x256xi32>,
    %reshape3A_163 = vector.shape_cast %select_n3A_158 : vector<256xi32> to vector<1x1x256xi32>
    %swap3A_164 = arith.constant 0 : index
    %swap3A_165 = arith.constant 0 : index
    %swap3A_166 = arith.constant 0 : index
    %swap3A_167 = vector.load %arg5[%swap3A_164, %swap3A_165, %swap3A_166] : memref<1x1x256xi32, #tpu.memory_space<vmem>>, vector<1x1x256xi32>
    tpu.vector_store %arg5[%swap3A_164, %swap3A_165, %swap3A_166], %reshape3A_163 {strides = array<i32>} : memref<1x1x256xi32, #tpu.memory_space<vmem>>, vector<1x1x256xi32>,
    %reshape3A_168 = vector.shape_cast %mul3A : vector<256xf32> to vector<1x1x256xf32>
    %swap3A_169 = arith.constant 0 : index
    %swap3A_170 = arith.constant 0 : index
    %swap3A_171 = arith.constant 0 : index
    %swap3A_172 = vector.load %arg6[%swap3A_169, %swap3A_170, %swap3A_171] : memref<1x1x256xf32, #tpu.memory_space<vmem>>, vector<1x1x256xf32>
    tpu.vector_store %arg6[%swap3A_169, %swap3A_170, %swap3A_171], %reshape3A_168 {strides = array<i32>} : memref<1x1x256xf32, #tpu.memory_space<vmem>>, vector<1x1x256xf32>,
    %reshape3A_173 = vector.shape_cast %mul3A_100 : vector<256xf32> to vector<1x1x256xf32>
    %swap3A_174 = arith.constant 0 : index
    %swap3A_175 = arith.constant 0 : index
    %swap3A_176 = arith.constant 0 : index
    %swap3A_177 = vector.load %arg7[%swap3A_174, %swap3A_175, %swap3A_176] : memref<1x1x256xf32, #tpu.memory_space<vmem>>, vector<1x1x256xf32>
    tpu.vector_store %arg7[%swap3A_174, %swap3A_175, %swap3A_176], %reshape3A_173 {strides = array<i32>} : memref<1x1x256xf32, #tpu.memory_space<vmem>>, vector<1x1x256xf32>,
    return
  }
  func.func @transform_0(%arg0: i32) -> (i32, i32) {
    %c0_i32 = arith.constant 0 : i32
    %c0_i32_0 = arith.constant 0 : i32
    return %arg0, %c0_i32 : i32, i32
  }
  func.func @transform_1(%arg0: i32) -> (i32, i32) {
    %c0_i32 = arith.constant 0 : i32
    %c0_i32_0 = arith.constant 0 : i32
    %c0_i32_1 = arith.constant 0 : i32
    return %c0_i32, %c0_i32_0 : i32, i32
  }
  func.func @transform_2(%arg0: i32) -> (i32, i32, i32) {
    %c0_i32 = arith.constant 0 : i32
    %c0_i32_0 = arith.constant 0 : i32
    %c0_i32_1 = arith.constant 0 : i32
    %c0_i32_2 = arith.constant 0 : i32
    return %c0_i32, %c0_i32_0, %c0_i32_1 : i32, i32, i32
  }
  func.func @transform_3(%arg0: i32) -> (i32, i32, i32) {
    %c0_i32 = arith.constant 0 : i32
    %c0_i32_0 = arith.constant 0 : i32
    %c0_i32_1 = arith.constant 0 : i32
    return %arg0, %c0_i32, %c0_i32_0 : i32, i32, i32
  }
  func.func @transform_4(%arg0: i32) -> (i32, i32, i32) {
    %c0_i32 = arith.constant 0 : i32
    %c0_i32_0 = arith.constant 0 : i32
    %c0_i32_1 = arith.constant 0 : i32
    return %arg0, %c0_i32, %c0_i32_0 : i32, i32, i32
  }
  func.func @transform_5(%arg0: i32) -> (i32, i32, i32) {
    %c0_i32 = arith.constant 0 : i32
    %c0_i32_0 = arith.constant 0 : i32
    %c0_i32_1 = arith.constant 0 : i32
    return %arg0, %c0_i32, %c0_i32_0 : i32, i32, i32
  }
  func.func @transform_6(%arg0: i32) -> (i32, i32, i32) {
    %c0_i32 = arith.constant 0 : i32
    %c0_i32_0 = arith.constant 0 : i32
    %c0_i32_1 = arith.constant 0 : i32
    return %arg0, %c0_i32, %c0_i32_0 : i32, i32, i32
  }
}

module attributes {stable_mosaic.version = 14 : i64} {
  func.func @_ffn_body(%arg0: i32, %arg1: memref<320x1024xf32, #tpu.memory_space<vmem>>, %arg2: memref<1x1024x2048xf32, #tpu.memory_space<vmem>>, %arg3: memref<1x1024x2048xf32, #tpu.memory_space<vmem>>, %arg4: memref<1x2048x1024xf32, #tpu.memory_space<vmem>>, %arg5: memref<1x320x1xf32, #tpu.memory_space<vmem>>, %arg6: memref<320x1024xf32, #tpu.memory_space<vmem>>) attributes {dimension_semantics = [#tpu.dimension_semantics<arbitrary>], iteration_bounds = array<i64: 17>, scalar_prefetch = 0 : i64, scratch_operands = 0 : i64, tpu.core_type = #tpu.core_type<tc>, window_params = [{transform_indices = @transform_0, window_bounds = array<i64: 320, 1024>}, {transform_indices = @transform_1, window_bounds = array<i64: 1, 1024, 2048>}, {transform_indices = @transform_2, window_bounds = array<i64: 1, 1024, 2048>}, {transform_indices = @transform_3, window_bounds = array<i64: 1, 2048, 1024>}, {transform_indices = @transform_4, window_bounds = array<i64: 1, 320, 1>}, {transform_indices = @transform_5, window_bounds = array<i64: 320, 1024>}]} {
    %lt3A = arith.constant 16 : i32
    %lt3A_0 = arith.cmpi slt, %arg0, %lt3A : i32
    %convert_element_type3A = arith.extui %lt3A_0 : i1 to i32
    %cond3A = arith.constant 0 : i32
    %cond3A_1 = arith.cmpi ne, %convert_element_type3A, %cond3A : i32
    scf.if %cond3A_1 {
      %get3A = arith.constant 0 : index
      %get3A_6 = arith.constant 0 : index
      %get3A_7 = vector.load %arg1[%get3A, %get3A_6] : memref<320x1024xf32, #tpu.memory_space<vmem>>, vector<320x1024xf32>
      %convert_element_type3A_8 = arith.truncf %get3A_7 : vector<320x1024xf32> to vector<320x1024xbf16>
      %get3A_9 = arith.constant 0 : index
      %get3A_10 = arith.constant 0 : index
      %get3A_11 = arith.constant 0 : index
      %get3A_12 = vector.load %arg2[%get3A_9, %get3A_10, %get3A_11] : memref<1x1024x2048xf32, #tpu.memory_space<vmem>>, vector<1x1024x2048xf32>
      %get3A_13 = vector.shape_cast %get3A_12 : vector<1x1024x2048xf32> to vector<1024x2048xf32>
      %convert_element_type3A_14 = arith.truncf %get3A_13 : vector<1024x2048xf32> to vector<1024x2048xbf16>
      %dot_general3A = arith.constant dense<0.000000e+00> : vector<320x2048xf32>
      %dot_general3A_15 = tpu.matmul %convert_element_type3A_8, %convert_element_type3A_14, %dot_general3A {dimension_numbers = #tpu.dot_dimension_numbers<[1], [0], [0], [1], [0, 0, 1, 1], [], []>, transpose_lhs_hint = false} : vector<320x1024xbf16>, vector<1024x2048xbf16>, vector<320x2048xf32> -> vector<320x2048xf32>
      %get3A_16 = arith.constant 0 : index
      %get3A_17 = arith.constant 0 : index
      %get3A_18 = arith.constant 0 : index
      %get3A_19 = vector.load %arg3[%get3A_16, %get3A_17, %get3A_18] : memref<1x1024x2048xf32, #tpu.memory_space<vmem>>, vector<1x1024x2048xf32>
      %get3A_20 = vector.shape_cast %get3A_19 : vector<1x1024x2048xf32> to vector<1024x2048xf32>
      %convert_element_type3A_21 = arith.truncf %get3A_20 : vector<1024x2048xf32> to vector<1024x2048xbf16>
      %dot_general3A_22 = arith.constant dense<0.000000e+00> : vector<320x2048xf32>
      %dot_general3A_23 = tpu.matmul %convert_element_type3A_8, %convert_element_type3A_21, %dot_general3A_22 {dimension_numbers = #tpu.dot_dimension_numbers<[1], [0], [0], [1], [0, 0, 1, 1], [], []>, transpose_lhs_hint = false} : vector<320x1024xbf16>, vector<1024x2048xbf16>, vector<320x2048xf32> -> vector<320x2048xf32>
      %logistic3A = arith.negf %dot_general3A_15 : vector<320x2048xf32>
      %logistic3A_24 = math.exp %logistic3A : vector<320x2048xf32>
      %logistic3A_25 = arith.constant 1.000000e+00 : f32
      %logistic3A_26 = vector.broadcast %logistic3A_25 : f32 to vector<320x2048xf32>
      %logistic3A_27 = arith.addf %logistic3A_26, %logistic3A_24 : vector<320x2048xf32>
      %logistic3A_28 = arith.divf %logistic3A_26, %logistic3A_27 : vector<320x2048xf32>
      %mul3A = arith.mulf %dot_general3A_15, %logistic3A_28 : vector<320x2048xf32>
      %mul3A_29 = arith.mulf %mul3A, %dot_general3A_23 : vector<320x2048xf32>
      %convert_element_type3A_30 = arith.truncf %mul3A_29 : vector<320x2048xf32> to vector<320x2048xbf16>
      %get3A_31 = arith.constant 0 : index
      %get3A_32 = arith.constant 0 : index
      %get3A_33 = arith.constant 0 : index
      %get3A_34 = vector.load %arg4[%get3A_31, %get3A_32, %get3A_33] : memref<1x2048x1024xf32, #tpu.memory_space<vmem>>, vector<1x2048x1024xf32>
      %get3A_35 = vector.shape_cast %get3A_34 : vector<1x2048x1024xf32> to vector<2048x1024xf32>
      %convert_element_type3A_36 = arith.truncf %get3A_35 : vector<2048x1024xf32> to vector<2048x1024xbf16>
      %dot_general3A_37 = arith.constant dense<0.000000e+00> : vector<320x1024xf32>
      %dot_general3A_38 = tpu.matmul %convert_element_type3A_30, %convert_element_type3A_36, %dot_general3A_37 {dimension_numbers = #tpu.dot_dimension_numbers<[1], [0], [0], [1], [0, 0, 1, 1], [], []>, transpose_lhs_hint = false} : vector<320x2048xbf16>, vector<2048x1024xbf16>, vector<320x1024xf32> -> vector<320x1024xf32>
      %get3A_39 = arith.constant 0 : index
      %get3A_40 = arith.constant 0 : index
      %get3A_41 = arith.constant 0 : index
      %get3A_42 = vector.load %arg5[%get3A_39, %get3A_40, %get3A_41] : memref<1x320x1xf32, #tpu.memory_space<vmem>>, vector<1x320x1xf32>
      %get3A_43 = vector.shape_cast %get3A_42 : vector<1x320x1xf32> to vector<320x1xf32>
      %mul3A_44 = vector.broadcast %get3A_43 : vector<320x1xf32> to vector<320x1024xf32>
      %mul3A_45 = arith.mulf %dot_general3A_38, %mul3A_44 : vector<320x1024xf32>
      %swap3A = arith.constant 0 : index
      %swap3A_46 = arith.constant 0 : index
      %swap3A_47 = vector.load %arg6[%swap3A, %swap3A_46] : memref<320x1024xf32, #tpu.memory_space<vmem>>, vector<320x1024xf32>
      tpu.vector_store %arg6[%swap3A, %swap3A_46], %mul3A_45 {strides = array<i32>} : memref<320x1024xf32, #tpu.memory_space<vmem>>, vector<320x1024xf32>,
    } else {
    }
    %eq3A = arith.constant 16 : i32
    %eq3A_2 = arith.cmpi eq, %arg0, %eq3A : i32
    %convert_element_type3A_3 = arith.extui %eq3A_2 : i1 to i32
    %cond3A_4 = arith.constant 0 : i32
    %cond3A_5 = arith.cmpi ne, %convert_element_type3A_3, %cond3A_4 : i32
    scf.if %cond3A_5 {
      %broadcast_in_dim3A = arith.constant 0.000000e+00 : f32
      %broadcast_in_dim3A_6 = vector.broadcast %broadcast_in_dim3A : f32 to vector<320x1024xf32>
      %swap3A = arith.constant 0 : index
      %swap3A_7 = arith.constant 0 : index
      %swap3A_8 = vector.load %arg6[%swap3A, %swap3A_7] : memref<320x1024xf32, #tpu.memory_space<vmem>>, vector<320x1024xf32>
      tpu.vector_store %arg6[%swap3A, %swap3A_7], %broadcast_in_dim3A_6 {strides = array<i32>} : memref<320x1024xf32, #tpu.memory_space<vmem>>, vector<320x1024xf32>,
    } else {
    }
    return
  }
  func.func @transform_0(%arg0: i32) -> (i32, i32) {
    %min3A = arith.constant 15 : i32
    %min3A_0 = arith.minsi %arg0, %min3A : i32
    %c0_i32 = arith.constant 0 : i32
    %c0_i32_1 = arith.constant 0 : i32
    return %min3A_0, %c0_i32 : i32, i32
  }
  func.func @transform_1(%arg0: i32) -> (i32, i32, i32) {
    %min3A = arith.constant 15 : i32
    %min3A_0 = arith.minsi %arg0, %min3A : i32
    %c0_i32 = arith.constant 0 : i32
    %c0_i32_1 = arith.constant 0 : i32
    %c0_i32_2 = arith.constant 0 : i32
    return %min3A_0, %c0_i32, %c0_i32_1 : i32, i32, i32
  }
  func.func @transform_2(%arg0: i32) -> (i32, i32, i32) {
    %min3A = arith.constant 15 : i32
    %min3A_0 = arith.minsi %arg0, %min3A : i32
    %c0_i32 = arith.constant 0 : i32
    %c0_i32_1 = arith.constant 0 : i32
    %c0_i32_2 = arith.constant 0 : i32
    return %min3A_0, %c0_i32, %c0_i32_1 : i32, i32, i32
  }
  func.func @transform_3(%arg0: i32) -> (i32, i32, i32) {
    %min3A = arith.constant 15 : i32
    %min3A_0 = arith.minsi %arg0, %min3A : i32
    %c0_i32 = arith.constant 0 : i32
    %c0_i32_1 = arith.constant 0 : i32
    %c0_i32_2 = arith.constant 0 : i32
    return %min3A_0, %c0_i32, %c0_i32_1 : i32, i32, i32
  }
  func.func @transform_4(%arg0: i32) -> (i32, i32, i32) {
    %min3A = arith.constant 15 : i32
    %min3A_0 = arith.minsi %arg0, %min3A : i32
    %c0_i32 = arith.constant 0 : i32
    %c0_i32_1 = arith.constant 0 : i32
    %c0_i32_2 = arith.constant 0 : i32
    return %min3A_0, %c0_i32, %c0_i32_1 : i32, i32, i32
  }
  func.func @transform_5(%arg0: i32) -> (i32, i32) {
    %c0_i32 = arith.constant 0 : i32
    %c0_i32_0 = arith.constant 0 : i32
    return %arg0, %c0_i32 : i32, i32
  }
}

</mosaic_0001>

<sc_bundles>
// kernel: kernel.6.cloned.1.call-start
scs
__scs_entry_jumppad:
0x0: {  	(pc) =	sbr.rel $0x88, $3  }
0x1: {  	(tag) =	ssettag $0x0;
	lr =	simm.s32 $0x1  }
0x2: {  	[smem:$0x3F9B] =	sst lr;
	_ =	strace $0xD0000000  }
0x3: {  	_ = 	snop  }
0x4: {  	_ = 	snop  }
0x5: {  	_ = 	snop  }
0x6: {  	_ = 	snop  }
0x7: {  	_ = 	snop  }
__scs_overlays_trampoline_lowered:
0x8: {  	[smem:$0x3FAA] =	sst s0  }
0x9: {  	[smem:$0x3FAB] =	sst s1  }
0xa: {  	[smem:$0x3FAC] =	sst s2  }
0xb: {  	[smem:$0x3FAD] =	sst s3  }
0xc: {  	[smem:$0x3FAE] =	sst s4  }
0xd: {  	[smem:$0x3FAF] =	sst s5  }
0xe: {  	[smem:$0x3FB0] =	sst s6  }
0xf: {  	[smem:$0x3FB1] =	sst s7  }
0x10: {  	[smem:$0x3FB2] =	sst s8  }
0x11: {  	[smem:$0x3FB3] =	sst s9;
	s0 =	simm.s32 @!p0 $0x0  }
0x12: {  	s1 =	sld [smem:$0x3F99];
	s0 =	simm.s32 @p0 $0x1  }
0x13: {  	[smem:$0x3FB4] =	sst s0;
	s0 =	simm.s32 @!p1 $0x0  }
0x14: {  	s2 =	sld [smem:$0x3F98];
	s0 =	simm.s32 @p1 $0x1  }
0x15: {  	[smem:$0x3FB5] =	sst s0;
	s0 =	simm.s32 @!p2 $0x0  }
0x16: {  	s3 =	sld [smem:$0x3FDB];
	s0 =	simm.s32 @p2 $0x1  }
0x17: {  	s4 =	simm.s32 $0x1BF5;
	[smem:$0x3FB7] =	sst s0  }
0x18: {  	s0 =	sld [smem:$0x3F9A];
	_ =	swait.ge [sflag:s4], $0x0  }
0x19: {  	s7 =	sld [smem:$0x3F9B]  }
0x1a: {  	s8 =	sadd.s32 $0xFFFFE003, lr  }
0x1b: {  	s9 =	sadd.s32 $0xFFFFFEF7, lr;
	s5 =	simm.s32 $0xFFFFFFFF;
	p2 =	slt.u32 s8, $0xFFFFF086  }
0x1c: {  	p1 =	slt.u32 s9, $0xF7A;
	s5 =	simm.s32 @!p2 $0x0  }
0x1d: {  	s5 =	simm.s32 @p1 $0x1;
	p0 =	seq.s32 s7, s2  }
0x1e: {  	s7 =	smul.u32 @!p0 $0xF7A, s2;
	p2 =	seq.s32 @!p0 s5, $0x0  }
0x1f: {  	s9 =	smul.u32 $0xF7A, s1;
	s8 =	simm.s32 @!p0 $0x1BF5;
	p2 =	por !p2, p0  }
0x20: {  	[sflag:s8] =	ssyncset.s32 @!p0 $0xFFFFF086;
	s6 =	sadd.s32 @!p0 s3, s7;
	s7 =	simm.s32 @!p0 $0x108  }
0x21: {  	s3 =	sadd.s32 s3, s9;
	s6 =	sadd.s32 @!p0 $0x88, s6;
	s7 =	simm.s32 @p2 $0x1082  }
0x22: {  	[simem:s7], [sflag:s8] =	dma.local @!p0 [hbm:s6], $0xF7A  }
0x23: {  	s9 =	sor.u32 $0xD0000000, s2;
	s6 =	simm.s32 $0x108;
	_ =	swait.ge @!p0 [sflag:s8], $0x0  }
0x24: {  	s3 =	sadd.s32 $0x88, s3;
	s6 =	simm.s32 @!p1 $0x1082;
	[sflag:s4] =	ssyncset.s32 $0xFFFFF086  }
0x25: {  	[simem:s6], [sflag:s4] =	dma.local [hbm:s3], $0xF7A  }
0x26: {  	[smem:$0x3F9B] =	sst s1;
	(tag) =	ssettag s2;
	_ =	strace s9  }
0x27: {  	s1 =	sld [smem:$0x3FAB]  }
0x28: {  	s2 =	sld [smem:$0x3FAC]  }
0x29: {  	s4 =	sld [smem:$0x3FAE]  }
0x2a: {  	p0 =	seq.s32 s5, $0x0;
	s5 =	sld [smem:$0x3FAF]  }
0x2b: {  	s6 =	sld [smem:$0x3FB0]  }
0x2c: {  	s7 =	sld [smem:$0x3FB1]  }
0x2d: {  	s3 =	simm.s32 $0x108;
	s8 =	sld [smem:$0x3FB2]  }
0x2e: {  	s3 =	simm.s32 @!p0 $0x1082;
	s9 =	sld [smem:$0x3FB3]  }
0x2f: {  	lr =	sadd.s32 s0, s3;
	s0 =	sld [smem:$0x3FAA]  }
0x30: {  	s3 =	sld [smem:$0x3FAD]  }
0x31: {  	[smem:$0x3FB6] =	sst s10  }
0x32: {  	s10 =	sld [smem:$0x3FB4];
	_ =	sdelay $0x3  }
0x33: {  	p0 =	seq.s32 s10, $0x1;
	s10 =	sld [smem:$0x3FB6];
	_ =	sdelay $0x3  }
0x34: {  	[smem:$0x3FB6] =	sst s10  }
0x35: {  	s10 =	sld [smem:$0x3FB5];
	_ =	sdelay $0x3  }
0x36: {  	p1 =	seq.s32 s10, $0x1;
	s10 =	sld [smem:$0x3FB6];
	_ =	sdelay $0x3  }
0x37: {  	[smem:$0x3FB6] =	sst s10  }
0x38: {  	s10 =	sld [smem:$0x3FB7]  }
0x39: {  	_ = 	snop;
	(pc) =	sbr.ind lr, $3  }
0x3a: {  	_ = 	snop  }
0x3b: {  	_ = 	snop  }
0x3c: {  	p2 =	seq.s32 s10, $0x1;
	s10 =	sld [smem:$0x3FB6]  }
0x3d: {  	_ =	shalt  }
0x3e: {  	_ =	shalt  }
0x3f: {  	_ =	shalt  }
0x40: {  	_ =	shalt  }
0x41: {  	_ =	shalt  }
0x42: {  	_ =	shalt  }
0x43: {  	_ =	shalt  }
0x44: {  	_ =	shalt  }
0x45: {  	_ =	shalt  }
0x46: {  	_ =	shalt  }
0x47: {  	_ =	shalt  }
0x48: {  	_ =	shalt  }
0x49: {  	_ =	shalt  }
0x4a: {  	_ =	shalt  }
0x4b: {  	_ =	shalt  }
0x4c: {  	_ =	shalt  }
0x4d: {  	_ =	shalt  }
0x4e: {  	_ =	shalt  }
0x4f: {  	_ =	shalt  }
0x50: {  	_ =	shalt  }
0x51: {  	_ =	shalt  }
0x52: {  	_ =	shalt  }
0x53: {  	_ =	shalt  }
0x54: {  	_ =	shalt  }
0x55: {  	_ =	shalt  }
0x56: {  	_ =	shalt  }
0x57: {  	_ =	shalt  }
0x58: {  	_ =	shalt  }
0x59: {  	_ =	shalt  }
0x5a: {  	_ =	shalt  }
0x5b: {  	_ =	shalt  }
0x5c: {  	_ =	shalt  }
0x5d: {  	_ =	shalt  }
0x5e: {  	_ =	shalt  }
0x5f: {  	_ =	shalt  }
0x60: {  	_ =	shalt  }
0x61: {  	_ =	shalt  }
0x62: {  	_ =	shalt  }
0x63: {  	_ =	shalt  }
0x64: {  	_ =	shalt  }
0x65: {  	_ =	shalt  }
0x66: {  	_ =	shalt  }
0x67: {  	_ =	shalt  }
0x68: {  	_ =	shalt  }
0x69: {  	_ =	shalt  }
0x6a: {  	_ =	shalt  }
0x6b: {  	_ =	shalt  }
0x6c: {  	_ =	shalt  }
0x6d: {  	_ =	shalt  }
0x6e: {  	_ =	shalt  }
0x6f: {  	_ =	shalt  }
0x70: {  	_ =	shalt  }
0x71: {  	_ =	shalt  }
0x72: {  	_ =	shalt  }
0x73: {  	_ =	shalt  }
0x74: {  	_ =	shalt  }
0x75: {  	_ =	shalt  }
0x76: {  	_ =	shalt  }
0x77: {  	_ =	shalt  }
0x78: {  	_ =	shalt  }
0x79: {  	_ =	shalt  }
0x7a: {  	_ =	shalt  }
0x7b: {  	_ =	shalt  }
0x7c: {  	_ =	shalt  }
0x7d: {  	_ =	shalt  }
0x7e: {  	_ =	shalt  }
0x7f: {  	_ =	shalt  }
0x80: {  	_ =	shalt  }
0x81: {  	_ =	shalt  }
0x82: {  	_ =	shalt  }
0x83: {  	_ =	shalt  }
0x84: {  	_ =	shalt  }
0x85: {  	_ =	shalt  }
0x86: {  	_ =	shalt  }
0x87: {  	_ =	shalt  }
.Lfunc_end0:
.L_simem_size_0:
called_computation_lowered:
.L_overlay_start_0:
0x88: {  	s2 =	sld [smem:$0x3FD9]  }
0x89: {  	s3 =	sld [smem:$0x3FFE];
	_ =	sdelay $0x1  }
0x8a: {  	s1 =	srdreg.scid  }
0x8b: {  	s0 =	sand.u32 $0x1, s1  }
0x8c: {  	s17 =	sshll.u32 s0, $0xA;
	s2 =	sadd.s32 s3, s2  }
0x8d: {  	s2 =	sadd.s32 s2, s17  }
0x8e: {  	[smem:$0x3FC2] =	sst s2  }
0x8f: {  	_ = 	snop  }
0x90: {  	s2 =	sld [smem:$0x3FC9]  }
0x91: {  	s18 =	sld [smem:$0x3FD0];
	(tm) =	ssettm $0x1  }
0x92: {  	s4 =	sld [smem:$0x3FFB];
	_ =	sdelay $0x3  }
0x93: {  	_ =	strace s4  }
0x94: {  	s4 =	sld [smem:$0x3FFC];
	_ =	sdelay $0x3  }
0x95: {  	_ =	strace s4  }
0x96: {  	s4 =	sld [smem:$0x3FFD];
	_ =	sdelay $0x3  }
0x97: {  	_ =	strace s4  }
0x98: {  	_ =	strace $0x8FFFFFFF  }
0x99: {  	s19 =	sld [smem:$0x3FDB];
	_ =	sdelay $0x1  }
0x9a: {  	s5 =	simm.s32 $_scs_section_size  }
0x9b: {  	s6 =	simm.s32 $_size__tile_overlayer_lowered;
	s7 =	simm.s32 $_tile_overlayer_lowered  }
0x9c: {  	s22 =	simm.s32 $0x1BFF;
	s21 =	sshll.u32 s7, $0x1;
	s4 =	sadd.s32 s5, s19  }
0x9d: {  	s8 =	simm.s32 $0x0;
	s20 =	sshll.u32 s6, $0x1;
	s6 =	sadd.s32 s21, s4  }
0x9e: {  	[timem:s8], [sflag:s22] =	dma.local [hbm:s6], s20  }
0x9f: {  	_ =	swait.ge [sflag:s22], s20  }
0xa0: {  	s5 =	ssub.s32 $0x0, s20;
	[sflag:s22] =	ssyncset.done $0x0  }
0xa1: {  	[sflag:s22] =	ssyncadd.s32 s5;
	_ =	sdelay $0x1  }
0xa2: {  	s23 =	simm.s32 $0x1B8B  }
0xa3: {  	_ =	swait.ge [sflag:s23], $0x1  }
0xa4: {  	[sflag:s23] =	ssyncset.done $0x0  }
0xa5: {  	s25 =	simm.s32 $0x1B8E;
	s24 =	sld [smem:$0x3FFE];
	[sflag:s23] =	ssyncadd.s32 $0xFFFFFFFF  }
0xa6: {  	s26 =	simm.s32 $execute0_lowered;
	[smem:$0x3FD2] =	sst s25  }
0xa7: {  	s6 =	sshll.u32 s26, $0x1;
	_ =	strace $0x80000046;
	[dreg:$0x1] =	wrdreg $0xFFFFFFFF  }
0xa8: {  	s28 =	simm.s32 $_size_execute0_lowered;
	s4 =	sadd.s32 s4, s6;
	[dreg:$0x0] =	wrdreg $0x0  }
0xa9: {  	s6 =	sshll.u32 s28, $0x1;
	[dreg:$0x2] =	wrdreg s4  }
0xaa: {  	[dreg:$0x3] =	wrdreg s6  }
0xab: {  	[dreg:$0x4] =	wrdreg $0xC0  }
0xac: {  	_ =	task [dreg:s8], $0x5FFFF  }
0xad: {  	[dreg:$0x1] =	wrdreg $0xFFFFFFFF  }
0xae: {  	[dreg:$0x0] =	wrdreg $0x60  }
0xaf: {  	[dreg:$0x2] =	wrdreg s2  }
0xb0: {  	[dreg:$0x3] =	wrdreg s24  }
0xb1: {  	[dreg:$0x4] =	wrdreg s18  }
0xb2: {  	[dreg:$0x5] =	wrdreg $0x9  }
0xb3: {  	_ =	task.clear_ibuf [dreg:s8], $0x6FFFF;
	_ =	strace $0x90000046  }
0xb4: {  	s29 =	simm.s32 $0x9;
	_ =	strace $0x80000048  }
0xb5: {  	_ =	swait.ge [sflag:s29], $0x1  }
0xb6: {  	[sflag:s29] =	ssyncadd.s32 $0xFFFFFFFF  }
0xb7: {  	_ =	strace $0x90000048  }
0xb8: {  	_ =	sfence  }
0xb9: {  	s30 =	sld [smem:$0x0];
	_ =	sdelay $0x2  }
0xba: {  	s31 =	sshll.u32 s1, $0xD;
	s1 =	sshrl.u32 s1, $0x2  }
0xbb: {  	s3 =	sand.u32 $0x4000, s31;
	s1 =	sadd.s32 s1, s30  }
0xbc: {  	s0 =	sor.u32 s3, s0;
	s1 =	sshll.u32 s1, $0x11  }
0xbd: {  	s0 =	sor.u32 s1, s0  }
0xbe: {  	s0 =	sadd.s32 $0x8F2B, s0  }
0xbf: {  	[sflag:s0] =	ssyncadd.remote.s32 $0x1  }
0xc0: {  	_ =	sfence.sel $0xFFFF  }
0xc1: {  	[dreg:$0x0] =	wrdreg $0xFFFFFFFF;
	(pc) =	sbr.abs _section_cstart, $3  }
0xc2: {  	[dreg:$0x1] =	wrdreg $0xFFFFFFFF  }
0xc3: {  	_ =	task.clear_ibuf [dreg:s8], $0x2FFFF;
	_ =	strace $0x9FFFFFFF  }
0xc4: {  	(tm) =	ssettm $0x7FFFFFFF  }
0xc5: {  	_ =	shalt  }
tec
execute0_lowered:
.L_overlay_start_1:
0x0: {  	(tag) =	ssettag $0x1  }
0x1: {  	s0 =	rddreg [dreg:$0x0]  }
0x2: {  	s1 =	rddreg [dreg:$0x1]  }
0x3: {  	s2 =	srdreg.scid;
	s3 =	simm.s32 $0x0;
	s5 =	stileid.u32  }
0x4: {  	s19 =	simm.s32 $0x4;
	s14 =	simm.s32 $0x7580;
	s15 =	simm.s32 $0x7D80  }
0x5: {  	s16 =	simm.s32 $0x8580;
	s28 =	simm.s32 $0x9580;
	s29 =	simm.s32 $0x9D80  }
0x6: {  	s30 =	simm.s32 $0xA580;
	s31 =	simm.s32 $0xAD80;
	s18 =	simm.s32 $0xCD80  }
0x7: {  	s17 =	simm.s32 $0xD580;
	s20 =	simm.s32 $0xDD80;
	s21 =	simm.s32 $0xE580  }
0x8: {  	s2 =	sand.u32 $0x1, s2;
	[smem:$0x7FF] =	sst s3;
	s10 =	sadd.s32 $0x1C00, s1  }
0x9: {  	s11 =	sadd.s32 $0x1800, s1;
	s6 =	sadd.s32 $0x1A00, s1;
	s7 =	sadd.s32 $0x2200, s1  }
0xa: {  	s12 =	sadd.s32 $0x2400, s1;
	_ =	strace $0x80000047;
	[dreg:$0x6] =	wrdreg s6  }
0xb: {  	s13 =	sadd.s32 $0x2500, s1;
	s4 =	sshll.u32 s2, $0x4;
	[dreg:$0x4] =	wrdreg s10  }
0xc: {  	s2 =	ssub.s32 $0x2, s2;
	[dreg:$0x5] =	wrdreg s11;
	s4 =	sor.u32 s5, s4  }
0xd: {  	s8 =	sshrl.u32 s2, $0x1;
	s5 =	smul.u32 $0xA0, s4;
	s9 =	sshll.u32 s4, $0xD  }
0xe: {  	s2 =	ssub.s32 s2, s8;
	s23 =	sshll.u32 s4, $0x3;
	s0 =	sadd.s32 s0, s9  }
0xf: {  	s4 =	sadd.s32 s10, s23;
	s26 =	smax.u32 s2, $0x1;
	[dreg:$0x7] =	wrdreg s0  }
0x10: {  	s2 =	simm.s32 $0xBD80;
	s22 =	sshrl.u32 s5, $0x3;
	[dreg:$0x8] =	wrdreg s4  }
0x11: {  	s0 =	sadd.s32 s11, s23;
	s11 =	sadd.s32 $0x2300, s1;
	[dreg:$0xc] =	wrdreg s26  }
0x12: {  	s25 =	sor.u32 $0x2000, s5;
	s5 =	simm.s32 $0x6D80;
	[dreg:$0x9] =	wrdreg s0  }
0x13: {  	v3 =	vlaneseq.u32;
	s26 =	simm.s32 $0x8D80;
	s6 =	sadd.s32 s22, s1;
	[dreg:$0xb] =	wrdreg s25  }
0x14: {  	v0 =	vimm.f32 $0.0e+00;
	vm0 =	vmmov $0xffff;
	v2 =	vshrl.u32 v3, $0x3;
	s0 =	simm.s32 $0x3580;
	s22 =	simm.s32 $0x0;
	s24 =	sadd.s32 $0x1E00, s6  }
0x15: {  	v1 =	vand.u32 $0x7, v3;
	v3 =	vor.u32 $0x8, v3;
	v2 =	vmul.u32 $0x8, v2;
	s25 =	simm.s32 $0x3580;
	[dreg:$0xa] =	wrdreg s24;
	s24 =	simm.s32 $0x2000  }
.LBB2_1:
0x16: {  	s4 =	rddreg [dreg:$0x7]  }
0x17: {  	[tilespmem:s0], [sflag:$0x1] =	stream.linear.gather [hbm4b:s4+s3], $0x10000, $0x38;
	[tilespmem:$0x13580] =	vst v63  }
0x18: {  	s1 =	rddreg [dreg:$0x8];
	s6 =	simm.s32 $0x3480  }
0x19: {  	[tilespmem:s6], [sflag:$0x4] =	stream.linear.gather [hbm4b:s1+s3], $0x40, $0x38;
	[tilespmem:$0x13580] =	vst v63  }
0x1a: {  	_ =	swait.ge [sflag:s19], $0x40  }
0x1b: {  	[sflag:s19] =	ssyncset.done $0x0  }
0x1c: {  	s9 =	simm.s32 $0x3500;
	s8 =	rddreg [dreg:$0x9];
	[sflag:s19] =	ssyncadd.s32 $0xFFFFFFC0  }
0x1d: {  	[tilespmem:s9], [sflag:$0x4] =	stream.linear.gather [hbm4b:s8+s3], $0x40, $0x38;
	[tilespmem:$0x13580] =	vst v63  }
0x1e: {  	_ =	swait.ge [sflag:s19], $0x40  }
0x1f: {  	[sflag:s19] =	ssyncset.done $0x0  }
0x20: {  	s10 =	rddreg [dreg:$0x4];
	[sflag:s19] =	ssyncadd.s32 $0xFFFFFFC0  }
0x21: {  	[tilespmem:s3], [sflag:$0x4] =	stream.linear.gather [hbm4b:s10+s3], $0x800, $0x38;
	[tilespmem:$0x13580] =	vst v63  }
0x22: {  	_ =	swait.ge [sflag:s19], $0x800  }
0x23: {  	[sflag:s19] =	ssyncset.done $0x0  }
0x24: {  	s1 =	simm.s32 $0x800;
	s23 =	rddreg [dreg:$0x5];
	[sflag:s19] =	ssyncadd.s32 $0xFFFFF800  }
0x25: {  	[tilespmem:s1], [sflag:$0x4] =	stream.linear.gather [hbm4b:s23+s3], $0x800, $0x38;
	[tilespmem:$0x13580] =	vst v63  }
0x26: {  	_ =	swait.ge [sflag:s19], $0x800  }
0x27: {  	[sflag:s19] =	ssyncset.done $0x0  }
0x28: {  	[sflag:s19] =	ssyncadd.s32 $0xFFFFF800  }
0x29: {  	s9 =	simm.s32 $0x1000;
	s8 =	rddreg [dreg:$0x2]  }
0x2a: {  	[tilespmem:s9], [sflag:$0x4] =	stream.linear.gather [hbm4b:s8+s3], $0x800, $0x38;
	[tilespmem:$0x13580] =	vst v63  }
0x2b: {  	_ =	swait.ge [sflag:s19], $0x800  }
0x2c: {  	[sflag:s19] =	ssyncset.done $0x0  }
0x2d: {  	s23 =	simm.s32 $0x1800;
	s10 =	rddreg [dreg:$0x6];
	[sflag:s19] =	ssyncadd.s32 $0xFFFFF800  }
0x2e: {  	[tilespmem:s23], [sflag:$0x4] =	stream.linear.gather [hbm4b:s10+s3], $0x800, $0x38;
	[tilespmem:$0x13580] =	vst v63  }
0x2f: {  	_ =	swait.ge [sflag:s19], $0x800  }
0x30: {  	[sflag:s19] =	ssyncset.done $0x0  }
0x31: {  	s6 =	simm.s32 $0x2040;
	[sflag:s19] =	ssyncadd.s32 $0xFFFFF800  }
0x32: {  	[tilespmem:s6+$0xFFFFFFC0] =	vst v0  }
0x33: {  	[tilespmem:s6+$0x30] =	vst v0  }
0x34: {  	[tilespmem:s6+$0x20] =	vst v0  }
0x35: {  	[tilespmem:s6+$0x10] =	vst v0  }
0x36: {  	[tilespmem:s6+$0x0] =	vst v0  }
0x37: {  	s4 =	simm.s32 $0x820;
	s9 =	simm.s32 $0x1820;
	[tilespmem:s6+$0xFFFFFFF0] =	vst v0  }
0x38: {  	s8 =	simm.s32 $0x1020;
	s23 =	simm.s32 $0x0;
	s10 =	simm.s32 $0x20;
	[tilespmem:s6+$0xFFFFFFE0] =	vst v0  }
.LBB2_2:
0x39: {  	s23 =	sadd.s32 $0x8, s23;
	[tilespmem:s6+$0xFFFFFFD0] =	vst v0;
	s6 =	sadd.s32 $0x80, s6  }
0x3a: {  	[tilespmem:s6+$0xFFFFFFC0] =	vst v0;
	p0 =	slt.u32 s23, $0x138  }
0x3b: {  	[tilespmem:s6+$0x30] =	vst v0  }
.Ltmp0:
0x3c: {  	[tilespmem:s6+$0x20] =	vst v0;
	(pc) =	sbr.rel @p0 .LBB2_2-.Ltmp0, $4  }
0x3d: {  	[tilespmem:s6+$0x10] =	vst v0  }
0x3e: {  	[tilespmem:s6+$0x0] =	vst v0  }
0x3f: {  	[tilespmem:s6+$0xFFFFFFF0] =	vst v0  }
0x40: {  	[tilespmem:s6+$0xFFFFFFE0] =	vst v0  }
0x41: {  	[tilespmem:s6+$0xFFFFFFD0] =	vst v0  }
0x42: {  	v4 =	vld [tilespmem:s10+$0x10]  }
0x43: {  	v5 =	vld [tilespmem:s10+$0xFFFFFFF0]  }
0x44: {  	v6 =	vld [tilespmem:s10+$0x0]  }
0x45: {  	v7 =	vld [tilespmem:s8+$0x10]  }
0x46: {  	v8 =	vld [tilespmem:s10+$0xFFFFFFE0]  }
0x47: {  	v9 =	vld [tilespmem:s8+$0xFFFFFFE0]  }
0x48: {  	v10 =	vld [tilespmem:s4+$0x10]  }
0x49: {  	v11 =	vld [tilespmem:s8+$0xFFFFFFF0]  }
0x4a: {  	v12 =	vld [tilespmem:s8+$0x0]  }
0x4b: {  	s23 =	simm.s32 $0x1060;
	v13 =	vld [tilespmem:s4+$0xFFFFFFE0]  }
0x4c: {  	v16 =	vld [tilespmem:s23+$0x10]  }
0x4d: {  	s6 =	simm.s32 $0x860;
	v18 =	vld [tilespmem:s23+$0xFFFFFFE0]  }
0x4e: {  	v19 =	vld [tilespmem:s6+$0x10]  }
0x4f: {  	s10 =	simm.s32 $0x60;
	v63 =	vld [tilespmem:s23+$0x0]  }
0x50: {  	v62 =	vld [tilespmem:s10+$0x10]  }
0x51: {  	v14 =	vld [tilespmem:s10+$0xFFFFFFF0]  }
0x52: {  	v17 =	vld [tilespmem:s10+$0xFFFFFFE0]  }
0x53: {  	v15 =	vld [tilespmem:s10+$0x0]  }
0x54: {  	[tilespmem:v4+s24+$0x0] =	vst.idx.msk $0xffff, v7;
	v4 =	vld [tilespmem:s4+$0xFFFFFFF0]  }
0x55: {  	[tilespmem:v8+s24+$0x0] =	vst.idx.msk $0xffff, v9;
	v8 =	vld [tilespmem:s4+$0x0]  }
0x56: {  	v7 =	vld [tilespmem:s9+$0x10]  }
0x57: {  	[tilespmem:v6+s24+$0x0] =	vst.idx.msk $0xffff, v12;
	v6 =	vld [tilespmem:s9+$0xFFFFFFE0]  }
0x58: {  	[tilespmem:v5+s24+$0x0] =	vst.idx.msk $0xffff, v11;
	v9 =	vld [tilespmem:s9+$0x0]  }
0x59: {  	s8 =	simm.s32 $0x1860;
	v5 =	vld [tilespmem:s6+$0xFFFFFFE0];
	[tilespmem:v62+s24+$0x0] =	vst.idx.msk $0xffff, v16  }
0x5a: {  	[tilespmem:v17+s24+$0x0] =	vst.idx.msk $0xffff, v18;
	v11 =	vld [tilespmem:s8+$0x10]  }
0x5b: {  	[tilespmem:v10+s24+$0x0] =	vst.idx.msk $0xffff, v7;
	v10 =	vld [tilespmem:s23+$0xFFFFFFF0]  }
0x5c: {  	[tilespmem:v13+s24+$0x0] =	vst.idx.msk $0xffff, v6;
	v7 =	vld [tilespmem:s6+$0xFFFFFFF0]  }
0x5d: {  	[tilespmem:v8+s24+$0x0] =	vst.idx.msk $0xffff, v9;
	v8 =	vld [tilespmem:s9+$0xFFFFFFF0]  }
0x5e: {  	v6 =	vld [tilespmem:s6+$0x0];
	[tilespmem:v15+s24+$0x0] =	vst.idx.msk $0xffff, v63  }
0x5f: {  	[tilespmem:v19+s24+$0x0] =	vst.idx.msk $0xffff, v11;
	v9 =	vld [tilespmem:s8+$0xFFFFFFE0]  }
0x60: {  	s10 =	simm.s32 $0x1860;
	s4 =	simm.s32 $0xA0;
	s9 =	simm.s32 $0x4;
	[tilespmem:v14+s24+$0x0] =	vst.idx.msk $0xffff, v10;
	v10 =	vld [tilespmem:s8+$0x0]  }
.LBB2_4:
0x61: {  	v11 =	vld [tilespmem:s4+$0x10];
	s9 =	sadd.s32 $0x4, s9  }
0x62: {  	v12 =	vld [tilespmem:s4+$0xFFFFFFF0];
	p0 =	slt.u32 s9, $0x7C;
	[tilespmem:v4+s24+$0x0] =	vst.idx.msk $0xffff, v8;
	v4 =	vmov v7  }
0x63: {  	s23 =	sadd.s32 $0x40, s23;
	v13 =	vld [tilespmem:s4+$0x0]  }
0x64: {  	v7 =	vld [tilespmem:s23+$0x10];
	[tilespmem:v5+s24+$0x0] =	vst.idx.msk $0xffff, v9  }
0x65: {  	v8 =	vld [tilespmem:s4+$0xFFFFFFE0]  }
0x66: {  	s6 =	sadd.s32 $0x40, s6;
	v9 =	vld [tilespmem:s23+$0xFFFFFFE0];
	[tilespmem:v6+s24+$0x0] =	vst.idx.msk $0xffff, v10  }
0x67: {  	v10 =	vld [tilespmem:s6+$0x10]  }
0x68: {  	v14 =	vld [tilespmem:s23+$0xFFFFFFF0]  }
0x69: {  	s8 =	sadd.s32 $0x40, s8;
	v15 =	vld [tilespmem:s23+$0x0];
	[tilespmem:v11+s24+$0x0] =	vst.idx.msk $0xffff, v7  }
0x6a: {  	v11 =	vld [tilespmem:s8+$0x10]  }
0x6b: {  	v5 =	vld [tilespmem:s6+$0xFFFFFFE0]  }
.Ltmp1:
0x6c: {  	v7 =	vld [tilespmem:s6+$0xFFFFFFF0];
	(pc) =	sbr.rel @p0 .LBB2_4-.Ltmp1, $4  }
0x6d: {  	[tilespmem:v8+s24+$0x0] =	vst.idx.msk $0xffff, v9;
	v8 =	vld [tilespmem:s10+$0xFFFFFFF0];
	s10 =	smov.u32 s8  }
0x6e: {  	v6 =	vld [tilespmem:s6+$0x0];
	[tilespmem:v13+s24+$0x0] =	vst.idx.msk $0xffff, v15  }
0x6f: {  	v9 =	vld [tilespmem:s8+$0xFFFFFFE0];
	[tilespmem:v10+s24+$0x0] =	vst.idx.msk $0xffff, v11  }
0x70: {  	s4 =	sadd.s32 $0x40, s4;
	[tilespmem:v12+s24+$0x0] =	vst.idx.msk $0xffff, v14;
	v10 =	vld [tilespmem:s8+$0x0]  }
0x71: {  	_ =	sdelay $0x1  }
0x72: {  	v11 =	vld [tilespmem:s10+$0xFFFFFFF0];
	_ =	sdelay $0x1  }
0x73: {  	[tilespmem:v4+s24+$0x0] =	vst.idx.msk $0xffff, v8  }
0x74: {  	[tilespmem:v5+s24+$0x0] =	vst.idx.msk $0xffff, v9  }
0x75: {  	[tilespmem:v6+s24+$0x0] =	vst.idx.msk $0xffff, v10  }
0x76: {  	s1 =	simm.s32 $0x1;
	[tilespmem:v7+s24+$0x0] =	vst.idx.msk $0xffff, v11  }
0x77: {  	_ =	swait.ge [sflag:s1], $0x10000  }
0x78: {  	[sflag:s1] =	ssyncset.done $0x0  }
0x79: {  	[sflag:s1] =	ssyncadd.s32 $0xFFFF0000  }
0x7a: {  	v4 =	vld [tilespmem:$0x3480];
	_ =	sdelay $0x4  }
0x7b: {  	v5 =	vshll.u32 v4, $0x3  }
0x7c: {  	v4 =	vand.u32 $0x7, v4;
	v5 =	vand.u32 $0xFFFFFFC0, v5  }
0x7d: {  	v4 =	vor.u32 v4, v5  }
0x7e: {  	v5 =	vperm.xlane v4, v1;
	_ =	sdelay $0x1  }
0x7f: {  	v5 =	vadd.s32 v2, v5;
	_ =	sdelay $0x4  }
0x80: {  	[hbm4b:s7+s3] =	stream.indirect_vreg.scatter [tilespmem:s0], [sflag:$0x2], $0x80, v5, vm0, $0xb8;
	[tilespmem:$0x13580] =	vst v63  }
0x81: {  	s4 =	simm.s32 $0x3D80;
	v4 =	vperm.xlane v4, v3  }
0x82: {  	[hbm4b:s11+s3] =	stream.indirect_vreg.scatter [tilespmem:s4], [sflag:$0x2], $0x80, v5, vm0, $0xb8;
	[tilespmem:$0x13580] =	vst v63  }
0x83: {  	s6 =	simm.s32 $0x4580;
	v4 =	vadd.s32 v2, v4  }
0x84: {  	[hbm4b:s12+s3] =	stream.indirect_vreg.scatter [tilespmem:s6], [sflag:$0x2], $0x80, v5, vm0, $0xb8;
	[tilespmem:$0x13580] =	vst v63  }
0x85: {  	s8 =	simm.s32 $0x4D80  }
0x86: {  	[hbm4b:s13+s3] =	stream.indirect_vreg.scatter [tilespmem:s8], [sflag:$0x2], $0x80, v5, vm0, $0xb8;
	[tilespmem:$0x13580] =	vst v63  }
0x87: {  	s9 =	simm.s32 $0x5580  }
0x88: {  	[hbm4b:s7+s3] =	stream.indirect_vreg.scatter [tilespmem:s9], [sflag:$0x2], $0x80, v4, vm0, $0xb8;
	[tilespmem:$0x13580] =	vst v63  }
0x89: {  	s10 =	simm.s32 $0x5D80  }
0x8a: {  	[hbm4b:s11+s3] =	stream.indirect_vreg.scatter [tilespmem:s10], [sflag:$0x2], $0x80, v4, vm0, $0xb8;
	[tilespmem:$0x13580] =	vst v63  }
0x8b: {  	s23 =	simm.s32 $0x6580  }
0x8c: {  	[hbm4b:s12+s3] =	stream.indirect_vreg.scatter [tilespmem:s23], [sflag:$0x2], $0x80, v4, vm0, $0xb8;
	[tilespmem:$0x13580] =	vst v63  }
0x8d: {  	_ = 	snop  }
0x8e: {  	[hbm4b:s13+s3] =	stream.indirect_vreg.scatter [tilespmem:s5], [sflag:$0x2], $0x80, v4, vm0, $0xb8;
	[tilespmem:$0x13580] =	vst v63  }
0x8f: {  	v4 =	vld [tilespmem:$0x3490];
	_ =	sdelay $0x4  }
0x90: {  	v5 =	vshll.u32 v4, $0x3  }
0x91: {  	v4 =	vand.u32 $0x7, v4;
	v5 =	vand.u32 $0xFFFFFFC0, v5  }
0x92: {  	v4 =	vor.u32 v4, v5  }
0x93: {  	v5 =	vperm.xlane v4, v1;
	_ =	sdelay $0x1  }
0x94: {  	v5 =	vadd.s32 v2, v5;
	_ =	sdelay $0x4  }
0x95: {  	[hbm4b:s7+s3] =	stream.indirect_vreg.scatter [tilespmem:s14], [sflag:$0x2], $0x80, v5, vm0, $0xb8;
	[tilespmem:$0x13580] =	vst v63  }
0x96: {  	v4 =	vperm.xlane v4, v3  }
0x97: {  	[hbm4b:s11+s3] =	stream.indirect_vreg.scatter [tilespmem:s15], [sflag:$0x2], $0x80, v5, vm0, $0xb8;
	[tilespmem:$0x13580] =	vst v63  }
0x98: {  	v4 =	vadd.s32 v2, v4  }
0x99: {  	[hbm4b:s12+s3] =	stream.indirect_vreg.scatter [tilespmem:s16], [sflag:$0x2], $0x80, v5, vm0, $0xb8;
	[tilespmem:$0x13580] =	vst v63  }
0x9a: {  	_ = 	snop  }
0x9b: {  	[hbm4b:s13+s3] =	stream.indirect_vreg.scatter [tilespmem:s26], [sflag:$0x2], $0x80, v5, vm0, $0xb8;
	[tilespmem:$0x13580] =	vst v63  }
0x9c: {  	_ = 	snop  }
0x9d: {  	[hbm4b:s7+s3] =	stream.indirect_vreg.scatter [tilespmem:s28], [sflag:$0x2], $0x80, v4, vm0, $0xb8;
	[tilespmem:$0x13580] =	vst v63  }
0x9e: {  	_ = 	snop  }
0x9f: {  	[hbm4b:s11+s3] =	stream.indirect_vreg.scatter [tilespmem:s29], [sflag:$0x2], $0x80, v4, vm0, $0xb8;
	[tilespmem:$0x13580] =	vst v63  }
0xa0: {  	_ = 	snop  }
0xa1: {  	[hbm4b:s12+s3] =	stream.indirect_vreg.scatter [tilespmem:s30], [sflag:$0x2], $0x80, v4, vm0, $0xb8;
	[tilespmem:$0x13580] =	vst v63  }
0xa2: {  	_ = 	snop  }
0xa3: {  	[hbm4b:s13+s3] =	stream.indirect_vreg.scatter [tilespmem:s31], [sflag:$0x2], $0x80, v4, vm0, $0xb8;
	[tilespmem:$0x13580] =	vst v63  }
0xa4: {  	v4 =	vld [tilespmem:$0x34A0];
	_ =	sdelay $0x4  }
0xa5: {  	v5 =	vshll.u32 v4, $0x3  }
0xa6: {  	v4 =	vand.u32 $0x7, v4;
	v5 =	vand.u32 $0xFFFFFFC0, v5  }
0xa7: {  	v4 =	vor.u32 v4, v5  }
0xa8: {  	v5 =	vperm.xlane v4, v1;
	_ =	sdelay $0x1  }
0xa9: {  	v5 =	vadd.s32 v2, v5;
	_ =	sdelay $0x3  }
0xaa: {  	s1 =	simm.s32 $0xB580  }
0xab: {  	[hbm4b:s7+s3] =	stream.indirect_vreg.scatter [tilespmem:s1], [sflag:$0x2], $0x80, v5, vm0, $0xb8;
	[tilespmem:$0x13580] =	vst v63  }
0xac: {  	v4 =	vperm.xlane v4, v3  }
0xad: {  	[hbm4b:s11+s3] =	stream.indirect_vreg.scatter [tilespmem:s2], [sflag:$0x2], $0x80, v5, vm0, $0xb8;
	[tilespmem:$0x13580] =	vst v63  }
0xae: {  	v4 =	vadd.s32 v2, v4;
	s1 =	simm.s32 $0xC580  }
0xaf: {  	[hbm4b:s12+s3] =	stream.indirect_vreg.scatter [tilespmem:s1], [sflag:$0x2], $0x80, v5, vm0, $0xb8;
	[tilespmem:$0x13580] =	vst v63  }
0xb0: {  	_ = 	snop  }
0xb1: {  	[hbm4b:s13+s3] =	stream.indirect_vreg.scatter [tilespmem:s18], [sflag:$0x2], $0x80, v5, vm0, $0xb8;
	[tilespmem:$0x13580] =	vst v63  }
0xb2: {  	_ = 	snop  }
0xb3: {  	[hbm4b:s7+s3] =	stream.indirect_vreg.scatter [tilespmem:s17], [sflag:$0x2], $0x80, v4, vm0, $0xb8;
	[tilespmem:$0x13580] =	vst v63  }
0xb4: {  	_ = 	snop  }
0xb5: {  	[hbm4b:s11+s3] =	stream.indirect_vreg.scatter [tilespmem:s20], [sflag:$0x2], $0x80, v4, vm0, $0xb8;
	[tilespmem:$0x13580] =	vst v63  }
0xb6: {  	_ = 	snop  }
0xb7: {  	[hbm4b:s12+s3] =	stream.indirect_vreg.scatter [tilespmem:s21], [sflag:$0x2], $0x80, v4, vm0, $0xb8;
	[tilespmem:$0x13580] =	vst v63  }
0xb8: {  	s0 =	simm.s32 $0xED80  }
0xb9: {  	[hbm4b:s13+s3] =	stream.indirect_vreg.scatter [tilespmem:s0], [sflag:$0x2], $0x80, v4, vm0, $0xb8;
	[tilespmem:$0x13580] =	vst v63  }
0xba: {  	v4 =	vld [tilespmem:$0x34B0];
	_ =	sdelay $0x4  }
0xbb: {  	v5 =	vshll.u32 v4, $0x3  }
0xbc: {  	v4 =	vand.u32 $0x7, v4;
	v5 =	vand.u32 $0xFFFFFFC0, v5  }
0xbd: {  	v4 =	vor.u32 v4, v5  }
0xbe: {  	v5 =	vperm.xlane v4, v1;
	_ =	sdelay $0x1  }
0xbf: {  	v5 =	vadd.s32 v2, v5;
	_ =	sdelay $0x3  }
0xc0: {  	s0 =	simm.s32 $0xF580  }
0xc1: {  	[hbm4b:s7+s3] =	stream.indirect_vreg.scatter [tilespmem:s0], [sflag:$0x2], $0x80, v5, vm0, $0xb8;
	[tilespmem:$0x13580] =	vst v63  }
0xc2: {  	v4 =	vperm.xlane v4, v3;
	s0 =	simm.s32 $0xFD80  }
0xc3: {  	[hbm4b:s11+s3] =	stream.indirect_vreg.scatter [tilespmem:s0], [sflag:$0x2], $0x80, v5, vm0, $0xb8;
	[tilespmem:$0x13580] =	vst v63  }
0xc4: {  	v4 =	vadd.s32 v2, v4;
	s0 =	simm.s32 $0x10580  }
0xc5: {  	[hbm4b:s12+s3] =	stream.indirect_vreg.scatter [tilespmem:s0], [sflag:$0x2], $0x80, v5, vm0, $0xb8;
	[tilespmem:$0x13580] =	vst v63  }
0xc6: {  	s0 =	simm.s32 $0x10D80  }
0xc7: {  	[hbm4b:s13+s3] =	stream.indirect_vreg.scatter [tilespmem:s0], [sflag:$0x2], $0x80, v5, vm0, $0xb8;
	[tilespmem:$0x13580] =	vst v63  }
0xc8: {  	s0 =	simm.s32 $0x11580  }
0xc9: {  	[hbm4b:s7+s3] =	stream.indirect_vreg.scatter [tilespmem:s0], [sflag:$0x2], $0x80, v4, vm0, $0xb8;
	[tilespmem:$0x13580] =	vst v63  }
0xca: {  	s0 =	simm.s32 $0x11D80  }
0xcb: {  	[hbm4b:s11+s3] =	stream.indirect_vreg.scatter [tilespmem:s0], [sflag:$0x2], $0x80, v4, vm0, $0xb8;
	[tilespmem:$0x13580] =	vst v63  }
0xcc: {  	s0 =	simm.s32 $0x12580  }
0xcd: {  	[hbm4b:s12+s3] =	stream.indirect_vreg.scatter [tilespmem:s0], [sflag:$0x2], $0x80, v4, vm0, $0xb8;
	[tilespmem:$0x13580] =	vst v63  }
0xce: {  	s0 =	simm.s32 $0x12D80  }
0xcf: {  	[hbm4b:s13+s3] =	stream.indirect_vreg.scatter [tilespmem:s0], [sflag:$0x2], $0x80, v4, vm0, $0xb8;
	[tilespmem:$0x13580] =	vst v63  }
0xd0: {  	v4 =	vld [tilespmem:$0x3500];
	_ =	sdelay $0x4  }
0xd1: {  	v5 =	vshll.u32 v4, $0x3  }
0xd2: {  	v4 =	vand.u32 $0x7, v4;
	v5 =	vand.u32 $0xFFFFFFC0, v5  }
0xd3: {  	v4 =	vor.u32 v4, v5  }
0xd4: {  	v5 =	vperm.xlane v4, v1;
	_ =	sdelay $0x1  }
0xd5: {  	v5 =	vadd.s32 v2, v5;
	_ =	sdelay $0x4  }
0xd6: {  	[hbm4b:s7+s3] =	stream.indirect_vreg.scatter [tilespmem:s25], [sflag:$0x3], $0x80, v5, vm0, $0xb8;
	[tilespmem:$0x13580] =	vst v63  }
0xd7: {  	v4 =	vperm.xlane v4, v3  }
0xd8: {  	[hbm4b:s11+s3] =	stream.indirect_vreg.scatter [tilespmem:s4], [sflag:$0x3], $0x80, v5, vm0, $0xb8;
	[tilespmem:$0x13580] =	vst v63  }
0xd9: {  	v4 =	vadd.s32 v2, v4  }
0xda: {  	[hbm4b:s12+s3] =	stream.indirect_vreg.scatter [tilespmem:s6], [sflag:$0x3], $0x80, v5, vm0, $0xb8;
	[tilespmem:$0x13580] =	vst v63  }
0xdb: {  	_ = 	snop  }
0xdc: {  	[hbm4b:s13+s3] =	stream.indirect_vreg.scatter [tilespmem:s8], [sflag:$0x3], $0x80, v5, vm0, $0xb8;
	[tilespmem:$0x13580] =	vst v63  }
0xdd: {  	_ = 	snop  }
0xde: {  	[hbm4b:s7+s3] =	stream.indirect_vreg.scatter [tilespmem:s9], [sflag:$0x3], $0x80, v4, vm0, $0xb8;
	[tilespmem:$0x13580] =	vst v63  }
0xdf: {  	_ = 	snop  }
0xe0: {  	[hbm4b:s11+s3] =	stream.indirect_vreg.scatter [tilespmem:s10], [sflag:$0x3], $0x80, v4, vm0, $0xb8;
	[tilespmem:$0x13580] =	vst v63  }
0xe1: {  	_ = 	snop  }
0xe2: {  	[hbm4b:s12+s3] =	stream.indirect_vreg.scatter [tilespmem:s23], [sflag:$0x3], $0x80, v4, vm0, $0xb8;
	[tilespmem:$0x13580] =	vst v63  }
0xe3: {  	_ = 	snop  }
0xe4: {  	[hbm4b:s13+s3] =	stream.indirect_vreg.scatter [tilespmem:s5], [sflag:$0x3], $0x80, v4, vm0, $0xb8;
	[tilespmem:$0x13580] =	vst v63  }
0xe5: {  	v4 =	vld [tilespmem:$0x3510];
	_ =	sdelay $0x4  }
0xe6: {  	v5 =	vshll.u32 v4, $0x3  }
0xe7: {  	v4 =	vand.u32 $0x7, v4;
	v5 =	vand.u32 $0xFFFFFFC0, v5  }
0xe8: {  	v4 =	vor.u32 v4, v5  }
0xe9: {  	v5 =	vperm.xlane v4, v1;
	_ =	sdelay $0x1  }
0xea: {  	v5 =	vadd.s32 v2, v5;
	_ =	sdelay $0x4  }
0xeb: {  	[hbm4b:s7+s3] =	stream.indirect_vreg.scatter [tilespmem:s14], [sflag:$0x3], $0x80, v5, vm0, $0xb8;
	[tilespmem:$0x13580] =	vst v63  }
0xec: {  	v4 =	vperm.xlane v4, v3  }
0xed: {  	[hbm4b:s11+s3] =	stream.indirect_vreg.scatter [tilespmem:s15], [sflag:$0x3], $0x80, v5, vm0, $0xb8;
	[tilespmem:$0x13580] =	vst v63  }
0xee: {  	v4 =	vadd.s32 v2, v4  }
0xef: {  	[hbm4b:s12+s3] =	stream.indirect_vreg.scatter [tilespmem:s16], [sflag:$0x3], $0x80, v5, vm0, $0xb8;
	[tilespmem:$0x13580] =	vst v63  }
0xf0: {  	_ = 	snop  }
0xf1: {  	[hbm4b:s13+s3] =	stream.indirect_vreg.scatter [tilespmem:s26], [sflag:$0x3], $0x80, v5, vm0, $0xb8;
	[tilespmem:$0x13580] =	vst v63  }
0xf2: {  	_ = 	snop  }
0xf3: {  	[hbm4b:s7+s3] =	stream.indirect_vreg.scatter [tilespmem:s28], [sflag:$0x3], $0x80, v4, vm0, $0xb8;
	[tilespmem:$0x13580] =	vst v63  }
0xf4: {  	_ = 	snop  }
0xf5: {  	[hbm4b:s11+s3] =	stream.indirect_vreg.scatter [tilespmem:s29], [sflag:$0x3], $0x80, v4, vm0, $0xb8;
	[tilespmem:$0x13580] =	vst v63  }
0xf6: {  	_ = 	snop  }
0xf7: {  	[hbm4b:s12+s3] =	stream.indirect_vreg.scatter [tilespmem:s30], [sflag:$0x3], $0x80, v4, vm0, $0xb8;
	[tilespmem:$0x13580] =	vst v63  }
0xf8: {  	_ = 	snop  }
0xf9: {  	[hbm4b:s13+s3] =	stream.indirect_vreg.scatter [tilespmem:s31], [sflag:$0x3], $0x80, v4, vm0, $0xb8;
	[tilespmem:$0x13580] =	vst v63  }
0xfa: {  	v4 =	vld [tilespmem:$0x3520];
	_ =	sdelay $0x4  }
0xfb: {  	v5 =	vshll.u32 v4, $0x3  }
0xfc: {  	v4 =	vand.u32 $0x7, v4;
	v5 =	vand.u32 $0xFFFFFFC0, v5  }
0xfd: {  	v4 =	vor.u32 v4, v5  }
0xfe: {  	v5 =	vperm.xlane v4, v1;
	_ =	sdelay $0x1  }
0xff: {  	v5 =	vadd.s32 v2, v5;
	_ =	sdelay $0x3  }
0x100: {  	s9 =	simm.s32 $0xB580  }
0x101: {  	[hbm4b:s7+s3] =	stream.indirect_vreg.scatter [tilespmem:s9], [sflag:$0x3], $0x80, v5, vm0, $0xb8;
	[tilespmem:$0x13580] =	vst v63  }
0x102: {  	v4 =	vperm.xlane v4, v3  }
0x103: {  	[hbm4b:s11+s3] =	stream.indirect_vreg.scatter [tilespmem:s2], [sflag:$0x3], $0x80, v5, vm0, $0xb8;
	[tilespmem:$0x13580] =	vst v63  }
0x104: {  	v4 =	vadd.s32 v2, v4  }
0x105: {  	[hbm4b:s12+s3] =	stream.indirect_vreg.scatter [tilespmem:s1], [sflag:$0x3], $0x80, v5, vm0, $0xb8;
	[tilespmem:$0x13580] =	vst v63  }
0x106: {  	_ = 	snop  }
0x107: {  	[hbm4b:s13+s3] =	stream.indirect_vreg.scatter [tilespmem:s18], [sflag:$0x3], $0x80, v5, vm0, $0xb8;
	[tilespmem:$0x13580] =	vst v63  }
0x108: {  	_ = 	snop  }
0x109: {  	[hbm4b:s7+s3] =	stream.indirect_vreg.scatter [tilespmem:s17], [sflag:$0x3], $0x80, v4, vm0, $0xb8;
	[tilespmem:$0x13580] =	vst v63  }
0x10a: {  	_ = 	snop  }
0x10b: {  	[hbm4b:s11+s3] =	stream.indirect_vreg.scatter [tilespmem:s20], [sflag:$0x3], $0x80, v4, vm0, $0xb8;
	[tilespmem:$0x13580] =	vst v63  }
0x10c: {  	_ = 	snop  }
0x10d: {  	[hbm4b:s12+s3] =	stream.indirect_vreg.scatter [tilespmem:s21], [sflag:$0x3], $0x80, v4, vm0, $0xb8;
	[tilespmem:$0x13580] =	vst v63  }
0x10e: {  	s10 =	simm.s32 $0xED80  }
0x10f: {  	[hbm4b:s13+s3] =	stream.indirect_vreg.scatter [tilespmem:s10], [sflag:$0x3], $0x80, v4, vm0, $0xb8;
	[tilespmem:$0x13580] =	vst v63  }
0x110: {  	v4 =	vld [tilespmem:$0x3530];
	_ =	sdelay $0x4  }
0x111: {  	v5 =	vshll.u32 v4, $0x3  }
0x112: {  	v4 =	vand.u32 $0x7, v4;
	v5 =	vand.u32 $0xFFFFFFC0, v5  }
0x113: {  	v4 =	vor.u32 v4, v5  }
0x114: {  	v5 =	vperm.xlane v4, v1;
	_ =	sdelay $0x1  }
0x115: {  	v5 =	vadd.s32 v2, v5;
	_ =	sdelay $0x3  }
0x116: {  	s23 =	simm.s32 $0xF580  }
0x117: {  	[hbm4b:s7+s3] =	stream.indirect_vreg.scatter [tilespmem:s23], [sflag:$0x3], $0x80, v5, vm0, $0xb8;
	[tilespmem:$0x13580] =	vst v63  }
0x118: {  	s4 =	simm.s32 $0xFD80;
	v4 =	vperm.xlane v4, v3  }
0x119: {  	[hbm4b:s11+s3] =	stream.indirect_vreg.scatter [tilespmem:s4], [sflag:$0x3], $0x80, v5, vm0, $0xb8;
	[tilespmem:$0x13580] =	vst v63  }
0x11a: {  	s6 =	simm.s32 $0x10580;
	v4 =	vadd.s32 v2, v4  }
0x11b: {  	[hbm4b:s12+s3] =	stream.indirect_vreg.scatter [tilespmem:s6], [sflag:$0x3], $0x80, v5, vm0, $0xb8;
	[tilespmem:$0x13580] =	vst v63  }
0x11c: {  	s8 =	simm.s32 $0x10D80  }
0x11d: {  	[hbm4b:s13+s3] =	stream.indirect_vreg.scatter [tilespmem:s8], [sflag:$0x3], $0x80, v5, vm0, $0xb8;
	[tilespmem:$0x13580] =	vst v63  }
0x11e: {  	s9 =	simm.s32 $0x11580  }
0x11f: {  	[hbm4b:s7+s3] =	stream.indirect_vreg.scatter [tilespmem:s9], [sflag:$0x3], $0x80, v4, vm0, $0xb8;
	[tilespmem:$0x13580] =	vst v63  }
0x120: {  	s10 =	simm.s32 $0x11D80  }
0x121: {  	[hbm4b:s11+s3] =	stream.indirect_vreg.scatter [tilespmem:s10], [sflag:$0x3], $0x80, v4, vm0, $0xb8;
	[tilespmem:$0x13580] =	vst v63  }
0x122: {  	s23 =	simm.s32 $0x12580  }
0x123: {  	[hbm4b:s12+s3] =	stream.indirect_vreg.scatter [tilespmem:s23], [sflag:$0x3], $0x80, v4, vm0, $0xb8;
	[tilespmem:$0x13580] =	vst v63  }
0x124: {  	s4 =	simm.s32 $0x12D80;
	s6 =	rddreg [dreg:$0xa]  }
0x125: {  	[hbm4b:s13+s3] =	stream.indirect_vreg.scatter [tilespmem:s4], [sflag:$0x3], $0x80, v4, vm0, $0xb8;
	[tilespmem:$0x13580] =	vst v63  }
0x126: {  	s8 =	rddreg [dreg:$0xb]  }
0x127: {  	[hbm4b:s6+s3] =	stream.linear.scatter [tilespmem:s8], [sflag:$0x4], $0xA0, $0x38;
	[tilespmem:$0x13580] =	vst v63  }
0x128: {  	_ =	swait.ge [sflag:s19], $0xA0  }
0x129: {  	[sflag:s19] =	ssyncset.done $0x0  }
0x12a: {  	s9 =	simm.s32 $0x2;
	[sflag:s19] =	ssyncadd.s32 $0xFFFFFF60  }
0x12b: {  	_ =	swait.ge [sflag:s9], $0x10000  }
0x12c: {  	[sflag:s9] =	ssyncset.done $0x0  }
0x12d: {  	s10 =	simm.s32 $0x3;
	[sflag:s9] =	ssyncadd.s32 $0xFFFF0000  }
0x12e: {  	_ =	swait.ge [sflag:s10], $0x10000  }
0x12f: {  	s22 =	sadd.s32 $0x1, s22;
	s23 =	rddreg [dreg:$0xc]  }
0x130: {  	p0 =	sne.s32 s22, s23  }
.Ltmp2:
0x131: {  	_ = 	snop;
	(pc) =	sbr.rel @p0 .LBB2_1-.Ltmp2, $3  }
0x132: {  	_ =	sdelay $0x1  }
0x133: {  	[sflag:s10] =	ssyncset.done $0x0  }
0x134: {  	s0 =	simm.s32 $0x3580;
	[sflag:s10] =	ssyncadd.s32 $0xFFFF0000  }
0x135: {  	_ =	sfence.sel $0x180000  }
0x136: {  	[bflag:$0x0] =	sbarrier.arrive $0xFFFF  }
0x137: {  	_ =	strace $0x90000047  }
0x138: {  	s0 =	stileid.u32;
	[bflag:$0x2] =	sbarrier.arrive $0xFFFF  }
0x139: {  	p0 =	sne.s32 s0, $0x0;
	s0 =	rddreg [dreg:$0x3]  }
0x13a: {  	s0 =	sadd.s32 @!p0 $0x100000, s0  }
0x13b: {  	[sflag:s0] =	ssyncadd.tile.s32 @!p0 $0x1;
	_ =	shalt  }
.Lfunc_end2:
_tile_overlayer_lowered:
.L_overlay_start_2:
0x13c: {  	(tag) =	ssettag $0x2  }
0x13d: {  	s0 =	rddreg [dreg:$0x0];
	s2 =	stileid.u32  }
0x13e: {  	s1 =	rddreg [dreg:$0x1];
	p0 =	sne.s32 s2, $0x0  }
0x13f: {  	s3 =	rddreg [dreg:$0x2];
	[bflag:$0x3] =	sbarrier.arrive $0xFFFF;
	s2 =	simm.s32 @!p0 $0x1C04  }
0x140: {  	[timem:s3], [sflag:s2] =	dma.local @!p0 [hbm:s0], s1  }
0x141: {  	s0 =	simm.s32 @!p0 $0x4  }
0x142: {  	_ =	swait.ge @!p0 [sflag:s0], s1  }
0x143: {  	s1 =	ssub.s32 @!p0 $0x0, s1;
	[sflag:s0] =	ssyncset.done @!p0 $0x0  }
0x144: {  	[sflag:s0] =	ssyncadd.s32 @!p0 s1  }
0x145: {  	[bflag:$0x3] =	sbarrier.arrive $0xFFFF  }
0x146: {  	_ =	shalt  }

// kernel: kernel.9.cloned.1.call-start
scs
__scs_entry_jumppad:
0x0: {  	(pc) =	sbr.rel $0x88, $3  }
0x1: {  	(tag) =	ssettag $0x0;
	lr =	simm.s32 $0x1  }
0x2: {  	[smem:$0x3F9B] =	sst lr;
	_ =	strace $0xD0000000  }
0x3: {  	_ = 	snop  }
0x4: {  	_ = 	snop  }
0x5: {  	_ = 	snop  }
0x6: {  	_ = 	snop  }
0x7: {  	_ = 	snop  }
__scs_overlays_trampoline_lowered:
0x8: {  	[smem:$0x3FAA] =	sst s0  }
0x9: {  	[smem:$0x3FAB] =	sst s1  }
0xa: {  	[smem:$0x3FAC] =	sst s2  }
0xb: {  	[smem:$0x3FAD] =	sst s3  }
0xc: {  	[smem:$0x3FAE] =	sst s4  }
0xd: {  	[smem:$0x3FAF] =	sst s5  }
0xe: {  	[smem:$0x3FB0] =	sst s6  }
0xf: {  	[smem:$0x3FB1] =	sst s7  }
0x10: {  	[smem:$0x3FB2] =	sst s8  }
0x11: {  	[smem:$0x3FB3] =	sst s9;
	s0 =	simm.s32 @!p0 $0x0  }
0x12: {  	s1 =	sld [smem:$0x3F99];
	s0 =	simm.s32 @p0 $0x1  }
0x13: {  	[smem:$0x3FB4] =	sst s0;
	s0 =	simm.s32 @!p1 $0x0  }
0x14: {  	s2 =	sld [smem:$0x3F98];
	s0 =	simm.s32 @p1 $0x1  }
0x15: {  	[smem:$0x3FB5] =	sst s0;
	s0 =	simm.s32 @!p2 $0x0  }
0x16: {  	s3 =	sld [smem:$0x3FDB];
	s0 =	simm.s32 @p2 $0x1  }
0x17: {  	s4 =	simm.s32 $0x1BF5;
	[smem:$0x3FB7] =	sst s0  }
0x18: {  	s0 =	sld [smem:$0x3F9A];
	_ =	swait.ge [sflag:s4], $0x0  }
0x19: {  	s7 =	sld [smem:$0x3F9B]  }
0x1a: {  	s8 =	sadd.s32 $0xFFFFE003, lr  }
0x1b: {  	s9 =	sadd.s32 $0xFFFFFEF7, lr;
	s5 =	simm.s32 $0xFFFFFFFF;
	p2 =	slt.u32 s8, $0xFFFFF086  }
0x1c: {  	p1 =	slt.u32 s9, $0xF7A;
	s5 =	simm.s32 @!p2 $0x0  }
0x1d: {  	s5 =	simm.s32 @p1 $0x1;
	p0 =	seq.s32 s7, s2  }
0x1e: {  	s7 =	smul.u32 @!p0 $0xF7A, s2;
	p2 =	seq.s32 @!p0 s5, $0x0  }
0x1f: {  	s9 =	smul.u32 $0xF7A, s1;
	s8 =	simm.s32 @!p0 $0x1BF5;
	p2 =	por !p2, p0  }
0x20: {  	[sflag:s8] =	ssyncset.s32 @!p0 $0xFFFFF086;
	s6 =	sadd.s32 @!p0 s3, s7;
	s7 =	simm.s32 @!p0 $0x108  }
0x21: {  	s3 =	sadd.s32 s3, s9;
	s6 =	sadd.s32 @!p0 $0x88, s6;
	s7 =	simm.s32 @p2 $0x1082  }
0x22: {  	[simem:s7], [sflag:s8] =	dma.local @!p0 [hbm:s6], $0xF7A  }
0x23: {  	s9 =	sor.u32 $0xD0000000, s2;
	s6 =	simm.s32 $0x108;
	_ =	swait.ge @!p0 [sflag:s8], $0x0  }
0x24: {  	s3 =	sadd.s32 $0x88, s3;
	s6 =	simm.s32 @!p1 $0x1082;
	[sflag:s4] =	ssyncset.s32 $0xFFFFF086  }
0x25: {  	[simem:s6], [sflag:s4] =	dma.local [hbm:s3], $0xF7A  }
0x26: {  	[smem:$0x3F9B] =	sst s1;
	(tag) =	ssettag s2;
	_ =	strace s9  }
0x27: {  	s1 =	sld [smem:$0x3FAB]  }
0x28: {  	s2 =	sld [smem:$0x3FAC]  }
0x29: {  	s4 =	sld [smem:$0x3FAE]  }
0x2a: {  	p0 =	seq.s32 s5, $0x0;
	s5 =	sld [smem:$0x3FAF]  }
0x2b: {  	s6 =	sld [smem:$0x3FB0]  }
0x2c: {  	s7 =	sld [smem:$0x3FB1]  }
0x2d: {  	s3 =	simm.s32 $0x108;
	s8 =	sld [smem:$0x3FB2]  }
0x2e: {  	s3 =	simm.s32 @!p0 $0x1082;
	s9 =	sld [smem:$0x3FB3]  }
0x2f: {  	lr =	sadd.s32 s0, s3;
	s0 =	sld [smem:$0x3FAA]  }
0x30: {  	s3 =	sld [smem:$0x3FAD]  }
0x31: {  	[smem:$0x3FB6] =	sst s10  }
0x32: {  	s10 =	sld [smem:$0x3FB4];
	_ =	sdelay $0x3  }
0x33: {  	p0 =	seq.s32 s10, $0x1;
	s10 =	sld [smem:$0x3FB6];
	_ =	sdelay $0x3  }
0x34: {  	[smem:$0x3FB6] =	sst s10  }
0x35: {  	s10 =	sld [smem:$0x3FB5];
	_ =	sdelay $0x3  }
0x36: {  	p1 =	seq.s32 s10, $0x1;
	s10 =	sld [smem:$0x3FB6];
	_ =	sdelay $0x3  }
0x37: {  	[smem:$0x3FB6] =	sst s10  }
0x38: {  	s10 =	sld [smem:$0x3FB7]  }
0x39: {  	_ = 	snop;
	(pc) =	sbr.ind lr, $3  }
0x3a: {  	_ = 	snop  }
0x3b: {  	_ = 	snop  }
0x3c: {  	p2 =	seq.s32 s10, $0x1;
	s10 =	sld [smem:$0x3FB6]  }
0x3d: {  	_ =	shalt  }
0x3e: {  	_ =	shalt  }
0x3f: {  	_ =	shalt  }
0x40: {  	_ =	shalt  }
0x41: {  	_ =	shalt  }
0x42: {  	_ =	shalt  }
0x43: {  	_ =	shalt  }
0x44: {  	_ =	shalt  }
0x45: {  	_ =	shalt  }
0x46: {  	_ =	shalt  }
0x47: {  	_ =	shalt  }
0x48: {  	_ =	shalt  }
0x49: {  	_ =	shalt  }
0x4a: {  	_ =	shalt  }
0x4b: {  	_ =	shalt  }
0x4c: {  	_ =	shalt  }
0x4d: {  	_ =	shalt  }
0x4e: {  	_ =	shalt  }
0x4f: {  	_ =	shalt  }
0x50: {  	_ =	shalt  }
0x51: {  	_ =	shalt  }
0x52: {  	_ =	shalt  }
0x53: {  	_ =	shalt  }
0x54: {  	_ =	shalt  }
0x55: {  	_ =	shalt  }
0x56: {  	_ =	shalt  }
0x57: {  	_ =	shalt  }
0x58: {  	_ =	shalt  }
0x59: {  	_ =	shalt  }
0x5a: {  	_ =	shalt  }
0x5b: {  	_ =	shalt  }
0x5c: {  	_ =	shalt  }
0x5d: {  	_ =	shalt  }
0x5e: {  	_ =	shalt  }
0x5f: {  	_ =	shalt  }
0x60: {  	_ =	shalt  }
0x61: {  	_ =	shalt  }
0x62: {  	_ =	shalt  }
0x63: {  	_ =	shalt  }
0x64: {  	_ =	shalt  }
0x65: {  	_ =	shalt  }
0x66: {  	_ =	shalt  }
0x67: {  	_ =	shalt  }
0x68: {  	_ =	shalt  }
0x69: {  	_ =	shalt  }
0x6a: {  	_ =	shalt  }
0x6b: {  	_ =	shalt  }
0x6c: {  	_ =	shalt  }
0x6d: {  	_ =	shalt  }
0x6e: {  	_ =	shalt  }
0x6f: {  	_ =	shalt  }
0x70: {  	_ =	shalt  }
0x71: {  	_ =	shalt  }
0x72: {  	_ =	shalt  }
0x73: {  	_ =	shalt  }
0x74: {  	_ =	shalt  }
0x75: {  	_ =	shalt  }
0x76: {  	_ =	shalt  }
0x77: {  	_ =	shalt  }
0x78: {  	_ =	shalt  }
0x79: {  	_ =	shalt  }
0x7a: {  	_ =	shalt  }
0x7b: {  	_ =	shalt  }
0x7c: {  	_ =	shalt  }
0x7d: {  	_ =	shalt  }
0x7e: {  	_ =	shalt  }
0x7f: {  	_ =	shalt  }
0x80: {  	_ =	shalt  }
0x81: {  	_ =	shalt  }
0x82: {  	_ =	shalt  }
0x83: {  	_ =	shalt  }
0x84: {  	_ =	shalt  }
0x85: {  	_ =	shalt  }
0x86: {  	_ =	shalt  }
0x87: {  	_ =	shalt  }
.Lfunc_end0:
.L_simem_size_0:
called_computation.1_lowered:
.L_overlay_start_0:
0x88: {  	s2 =	sld [smem:$0x3FD9]  }
0x89: {  	s3 =	sld [smem:$0x3FFE];
	_ =	sdelay $0x1  }
0x8a: {  	s1 =	srdreg.scid  }
0x8b: {  	s0 =	sand.u32 $0x1, s1  }
0x8c: {  	s17 =	sshll.u32 s0, $0xA;
	s2 =	sadd.s32 s3, s2  }
0x8d: {  	s2 =	sadd.s32 s2, s17  }
0x8e: {  	[smem:$0x3FC2] =	sst s2  }
0x8f: {  	_ = 	snop  }
0x90: {  	s2 =	sld [smem:$0x3FD0];
	(tm) =	ssettm $0x1  }
0x91: {  	s18 =	sld [smem:$0x3FFB];
	_ =	sdelay $0x3  }
0x92: {  	_ =	strace s18  }
0x93: {  	s3 =	sld [smem:$0x3FFC];
	_ =	sdelay $0x3  }
0x94: {  	_ =	strace s3  }
0x95: {  	s3 =	sld [smem:$0x3FFD];
	_ =	sdelay $0x3  }
0x96: {  	_ =	strace s3  }
0x97: {  	_ =	strace $0x8FFFFFFF  }
0x98: {  	s19 =	sld [smem:$0x3FDB];
	_ =	sdelay $0x1  }
0x99: {  	s4 =	simm.s32 $_scs_section_size  }
0x9a: {  	s5 =	simm.s32 $_size__tile_overlayer_lowered;
	s6 =	simm.s32 $_tile_overlayer_lowered  }
0x9b: {  	s22 =	simm.s32 $0x1BFF;
	s21 =	sshll.u32 s6, $0x1;
	s3 =	sadd.s32 s4, s19  }
0x9c: {  	s7 =	simm.s32 $0x0;
	s20 =	sshll.u32 s5, $0x1;
	s5 =	sadd.s32 s21, s3  }
0x9d: {  	[timem:s7], [sflag:s22] =	dma.local [hbm:s5], s20  }
0x9e: {  	_ =	swait.ge [sflag:s22], s20  }
0x9f: {  	s4 =	ssub.s32 $0x0, s20;
	[sflag:s22] =	ssyncset.done $0x0  }
0xa0: {  	[sflag:s22] =	ssyncadd.s32 s4;
	_ =	sdelay $0x1  }
0xa1: {  	s23 =	simm.s32 $0x1B8B  }
0xa2: {  	_ =	swait.ge [sflag:s23], $0x1  }
0xa3: {  	[sflag:s23] =	ssyncset.done $0x0  }
0xa4: {  	s25 =	simm.s32 $0x1B8E;
	s24 =	sld [smem:$0x3FFE];
	[sflag:s23] =	ssyncadd.s32 $0xFFFFFFFF  }
0xa5: {  	s26 =	simm.s32 $execute0_lowered;
	[smem:$0x3FD2] =	sst s25  }
0xa6: {  	s5 =	sshll.u32 s26, $0x1;
	_ =	strace $0x80000049;
	[dreg:$0x1] =	wrdreg $0xFFFFFFFF  }
0xa7: {  	s28 =	simm.s32 $_size_execute0_lowered;
	s3 =	sadd.s32 s3, s5;
	[dreg:$0x0] =	wrdreg $0x0  }
0xa8: {  	s5 =	sshll.u32 s28, $0x1;
	[dreg:$0x2] =	wrdreg s3  }
0xa9: {  	[dreg:$0x3] =	wrdreg s5  }
0xaa: {  	[dreg:$0x4] =	wrdreg $0xC0  }
0xab: {  	_ =	task [dreg:s7], $0x5FFFF  }
0xac: {  	[dreg:$0x1] =	wrdreg $0xFFFFFFFF  }
0xad: {  	[dreg:$0x0] =	wrdreg $0x60  }
0xae: {  	[dreg:$0x2] =	wrdreg s24  }
0xaf: {  	[dreg:$0x3] =	wrdreg s2  }
0xb0: {  	[dreg:$0x4] =	wrdreg $0x9  }
0xb1: {  	_ =	task.clear_ibuf [dreg:s7], $0x5FFFF;
	_ =	strace $0x90000049  }
0xb2: {  	s29 =	simm.s32 $0x9;
	_ =	strace $0x8000004B  }
0xb3: {  	_ =	swait.ge [sflag:s29], $0x1  }
0xb4: {  	[sflag:s29] =	ssyncadd.s32 $0xFFFFFFFF  }
0xb5: {  	_ =	strace $0x9000004B  }
0xb6: {  	_ =	sfence  }
0xb7: {  	s30 =	sld [smem:$0x0];
	_ =	sdelay $0x2  }
0xb8: {  	s31 =	sshll.u32 s1, $0xD;
	s1 =	sshrl.u32 s1, $0x2  }
0xb9: {  	s3 =	sand.u32 $0x4000, s31;
	s1 =	sadd.s32 s1, s30  }
0xba: {  	s0 =	sor.u32 s3, s0;
	s1 =	sshll.u32 s1, $0x11  }
0xbb: {  	s0 =	sor.u32 s1, s0  }
0xbc: {  	s0 =	sadd.s32 $0x8F2B, s0  }
0xbd: {  	[sflag:s0] =	ssyncadd.remote.s32 $0x1  }
0xbe: {  	_ =	sfence.sel $0xFFFF  }
0xbf: {  	[dreg:$0x0] =	wrdreg $0xFFFFFFFF;
	(pc) =	sbr.abs _section_cstart, $3  }
0xc0: {  	[dreg:$0x1] =	wrdreg $0xFFFFFFFF  }
0xc1: {  	_ =	task.clear_ibuf [dreg:s7], $0x2FFFF;
	_ =	strace $0x9FFFFFFF  }
0xc2: {  	(tm) =	ssettm $0x7FFFFFFF  }
0xc3: {  	_ =	shalt  }
tec
execute0_lowered:
.L_overlay_start_1:
0x0: {  	(tag) =	ssettag $0x1  }
0x1: {  	s0 =	srdreg.scid;
	s1 =	rddreg [dreg:$0x0]  }
0x2: {  	s3 =	stileid.u32;
	s5 =	simm.s32 $0x0;
	s12 =	simm.s32 $0x3  }
0x3: {  	s14 =	simm.s32 $0x100;
	s13 =	simm.s32 $0x9900;
	s6 =	simm.s32 $0xA100  }
0x4: {  	s7 =	simm.s32 $0xA900;
	s11 =	simm.s32 $0xB100;
	s15 =	simm.s32 $0xC900  }
0x5: {  	s16 =	simm.s32 $0xD100;
	s17 =	simm.s32 $0xD900;
	s18 =	simm.s32 $0xE100  }
0x6: {  	s19 =	simm.s32 $0xE900;
	s20 =	simm.s32 $0xF100;
	s21 =	simm.s32 $0xF900  }
0x7: {  	s22 =	simm.s32 $0x1;
	s23 =	simm.s32 $0x2;
	s24 =	simm.s32 $0x0  }
0x8: {  	s0 =	sand.u32 $0x1, s0;
	s3 =	sshll.u32 s3, $0x6;
	[smem:$0x7FF] =	sst s5  }
0x9: {  	s5 =	sadd.s32 $0xAC200, s1;
	s2 =	sshll.u32 s0, $0xA;
	s0 =	ssub.s32 $0x2, s0  }
0xa: {  	s8 =	sadd.s32 $0xAC300, s1;
	s4 =	sor.u32 s3, s2;
	s30 =	sshrl.u32 s0, $0x1  }
0xb: {  	s9 =	sadd.s32 $0xAC400, s1;
	s2 =	sshrl.u32 s4, $0x3;
	s0 =	ssub.s32 s0, s30  }
0xc: {  	s10 =	sadd.s32 $0xAC500, s1;
	s2 =	sadd.s32 s2, s1;
	s0 =	smax.u32 s0, $0x1  }
0xd: {  	v2 =	vlaneseq.u32;
	_ =	strace $0x8000004A;
	s31 =	sadd.s32 $0x1C00, s2;
	[dreg:$0x5] =	wrdreg s0  }
0xe: {  	vm0 =	vmmov $0xffff;
	v1 =	vshrl.u32 v2, $0x3;
	s3 =	simm.s32 $0xC100;
	s2 =	sadd.s32 $0x1800, s2;
	[dreg:$0x3] =	wrdreg s31  }
0xf: {  	v0 =	vand.u32 $0x7, v2;
	v2 =	vor.u32 $0x8, v2;
	v1 =	vmul.u32 $0x8, v1;
	s0 =	simm.s32 $0x9100;
	[dreg:$0x4] =	wrdreg s2;
	s2 =	simm.s32 $0xB900  }
.LBB2_1:
0x10: {  	[dreg:$0x6] =	wrdreg s24  }
0x11: {  	s31 =	simm.s32 $0x0;
	s1 =	rddreg [dreg:$0x3]  }
0x12: {  	[tilespmem:s31], [sflag:$0x3] =	stream.linear.gather [hbm4b:s1+s31], $0x40, $0x38;
	[tilespmem:$0x10100] =	vst v63  }
0x13: {  	_ =	swait.ge [sflag:s12], $0x40  }
0x14: {  	[sflag:s12] =	ssyncset.done $0x0  }
0x15: {  	s26 =	simm.s32 $0x80;
	s25 =	rddreg [dreg:$0x4];
	[sflag:s12] =	ssyncadd.s32 $0xFFFFFFC0  }
0x16: {  	[tilespmem:s26], [sflag:$0x3] =	stream.linear.gather [hbm4b:s25+s31], $0x40, $0x38;
	[tilespmem:$0x10100] =	vst v63  }
0x17: {  	_ =	swait.ge [sflag:s12], $0x40  }
0x18: {  	p0 =	por $0x1, $0x1;
	[sflag:s12] =	ssyncset.done $0x0  }
0x19: {  	s24 =	simm.s32 $0x0;
	s1 =	simm.s32 $0x0;
	[sflag:s12] =	ssyncadd.s32 $0xFFFFFFC0  }
.LBB2_2:
0x1a: {  	v3 =	vld [tilespmem:s24+$0x0];
	_ =	sdelay $0x4  }
0x1b: {  	v4 =	vshll.u32 v3, $0x3  }
0x1c: {  	v3 =	vand.u32 $0x7, v3;
	v4 =	vand.u32 $0xFFFFFFC0, v4  }
0x1d: {  	v3 =	vor.u32 v3, v4  }
0x1e: {  	v4 =	vperm.xlane v3, v0;
	_ =	sdelay $0x1  }
0x1f: {  	v4 =	vadd.s32 v1, v4;
	_ =	sdelay $0x3  }
0x20: {  	s25 =	simm.s32 $0x0  }
0x21: {  	[tilespmem:s14], [sflag:$0x1] =	stream.indirect_vreg.gather [hbm4b:s5+s25], $0x80, v4, vm0, $0xb8;
	[tilespmem:$0x10100] =	vst v63  }
0x22: {  	s26 =	simm.s32 $0x900;
	v3 =	vperm.xlane v3, v2  }
0x23: {  	[tilespmem:s26], [sflag:$0x1] =	stream.indirect_vreg.gather [hbm4b:s8+s25], $0x80, v4, vm0, $0xb8;
	[tilespmem:$0x10100] =	vst v63  }
0x24: {  	s30 =	simm.s32 $0x1100;
	v3 =	vadd.s32 v1, v3  }
0x25: {  	[tilespmem:s30], [sflag:$0x1] =	stream.indirect_vreg.gather [hbm4b:s9+s25], $0x80, v4, vm0, $0xb8;
	[tilespmem:$0x10100] =	vst v63  }
0x26: {  	s31 =	simm.s32 $0x1900  }
0x27: {  	[tilespmem:s31], [sflag:$0x1] =	stream.indirect_vreg.gather [hbm4b:s10+s25], $0x80, v4, vm0, $0xb8;
	[tilespmem:$0x10100] =	vst v63  }
0x28: {  	s29 =	simm.s32 $0x2100  }
0x29: {  	[tilespmem:s29], [sflag:$0x1] =	stream.indirect_vreg.gather [hbm4b:s5+s25], $0x80, v3, vm0, $0xb8;
	[tilespmem:$0x10100] =	vst v63  }
0x2a: {  	s30 =	simm.s32 $0x2900  }
0x2b: {  	[tilespmem:s30], [sflag:$0x1] =	stream.indirect_vreg.gather [hbm4b:s8+s25], $0x80, v3, vm0, $0xb8;
	[tilespmem:$0x10100] =	vst v63  }
0x2c: {  	s31 =	simm.s32 $0x3100  }
0x2d: {  	[tilespmem:s31], [sflag:$0x1] =	stream.indirect_vreg.gather [hbm4b:s9+s25], $0x80, v3, vm0, $0xb8;
	[tilespmem:$0x10100] =	vst v63  }
0x2e: {  	s29 =	simm.s32 $0x3900  }
0x2f: {  	[tilespmem:s29], [sflag:$0x1] =	stream.indirect_vreg.gather [hbm4b:s10+s25], $0x80, v3, vm0, $0xb8;
	[tilespmem:$0x10100] =	vst v63  }
0x30: {  	v3 =	vld [tilespmem:s24+$0x10];
	_ =	sdelay $0x4  }
0x31: {  	v4 =	vshll.u32 v3, $0x3  }
0x32: {  	v3 =	vand.u32 $0x7, v3;
	v4 =	vand.u32 $0xFFFFFFC0, v4  }
0x33: {  	v3 =	vor.u32 v3, v4  }
0x34: {  	v4 =	vperm.xlane v3, v0;
	_ =	sdelay $0x1  }
0x35: {  	v4 =	vadd.s32 v1, v4;
	_ =	sdelay $0x3  }
0x36: {  	s30 =	simm.s32 $0x4100  }
0x37: {  	[tilespmem:s30], [sflag:$0x1] =	stream.indirect_vreg.gather [hbm4b:s5+s25], $0x80, v4, vm0, $0xb8;
	[tilespmem:$0x10100] =	vst v63  }
0x38: {  	s31 =	simm.s32 $0x4900;
	v3 =	vperm.xlane v3, v2  }
0x39: {  	[tilespmem:s31], [sflag:$0x1] =	stream.indirect_vreg.gather [hbm4b:s8+s25], $0x80, v4, vm0, $0xb8;
	[tilespmem:$0x10100] =	vst v63  }
0x3a: {  	s29 =	simm.s32 $0x5100;
	v3 =	vadd.s32 v1, v3  }
0x3b: {  	[tilespmem:s29], [sflag:$0x1] =	stream.indirect_vreg.gather [hbm4b:s9+s25], $0x80, v4, vm0, $0xb8;
	[tilespmem:$0x10100] =	vst v63  }
0x3c: {  	s30 =	simm.s32 $0x5900  }
0x3d: {  	[tilespmem:s30], [sflag:$0x1] =	stream.indirect_vreg.gather [hbm4b:s10+s25], $0x80, v4, vm0, $0xb8;
	[tilespmem:$0x10100] =	vst v63  }
0x3e: {  	s31 =	simm.s32 $0x6100  }
0x3f: {  	[tilespmem:s31], [sflag:$0x1] =	stream.indirect_vreg.gather [hbm4b:s5+s25], $0x80, v3, vm0, $0xb8;
	[tilespmem:$0x10100] =	vst v63  }
0x40: {  	s29 =	simm.s32 $0x6900  }
0x41: {  	[tilespmem:s29], [sflag:$0x1] =	stream.indirect_vreg.gather [hbm4b:s8+s25], $0x80, v3, vm0, $0xb8;
	[tilespmem:$0x10100] =	vst v63  }
0x42: {  	s30 =	simm.s32 $0x7100  }
0x43: {  	[tilespmem:s30], [sflag:$0x1] =	stream.indirect_vreg.gather [hbm4b:s9+s25], $0x80, v3, vm0, $0xb8;
	[tilespmem:$0x10100] =	vst v63  }
0x44: {  	s31 =	simm.s32 $0x7900  }
0x45: {  	[tilespmem:s31], [sflag:$0x1] =	stream.indirect_vreg.gather [hbm4b:s10+s25], $0x80, v3, vm0, $0xb8;
	[tilespmem:$0x10100] =	vst v63  }
0x46: {  	v3 =	vld [tilespmem:s24+$0x80];
	_ =	sdelay $0x4  }
0x47: {  	v4 =	vshll.u32 v3, $0x3  }
0x48: {  	v3 =	vand.u32 $0x7, v3;
	v4 =	vand.u32 $0xFFFFFFC0, v4  }
0x49: {  	v3 =	vor.u32 v3, v4  }
0x4a: {  	v4 =	vperm.xlane v3, v0;
	_ =	sdelay $0x1  }
0x4b: {  	v4 =	vadd.s32 v1, v4;
	_ =	sdelay $0x3  }
0x4c: {  	s29 =	simm.s32 $0x8100  }
0x4d: {  	[tilespmem:s29], [sflag:$0x2] =	stream.indirect_vreg.gather [hbm4b:s5+s25], $0x80, v4, vm0, $0xb8;
	[tilespmem:$0x10100] =	vst v63  }
0x4e: {  	s30 =	simm.s32 $0x8900;
	v3 =	vperm.xlane v3, v2  }
0x4f: {  	[tilespmem:s30], [sflag:$0x2] =	stream.indirect_vreg.gather [hbm4b:s8+s25], $0x80, v4, vm0, $0xb8;
	[tilespmem:$0x10100] =	vst v63  }
0x50: {  	v3 =	vadd.s32 v1, v3  }
0x51: {  	[tilespmem:s0], [sflag:$0x2] =	stream.indirect_vreg.gather [hbm4b:s9+s25], $0x80, v4, vm0, $0xb8;
	[tilespmem:$0x10100] =	vst v63  }
0x52: {  	_ = 	snop  }
0x53: {  	[tilespmem:s13], [sflag:$0x2] =	stream.indirect_vreg.gather [hbm4b:s10+s25], $0x80, v4, vm0, $0xb8;
	[tilespmem:$0x10100] =	vst v63  }
0x54: {  	_ = 	snop  }
0x55: {  	[tilespmem:s6], [sflag:$0x2] =	stream.indirect_vreg.gather [hbm4b:s5+s25], $0x80, v3, vm0, $0xb8;
	[tilespmem:$0x10100] =	vst v63  }
0x56: {  	_ = 	snop  }
0x57: {  	[tilespmem:s7], [sflag:$0x2] =	stream.indirect_vreg.gather [hbm4b:s8+s25], $0x80, v3, vm0, $0xb8;
	[tilespmem:$0x10100] =	vst v63  }
0x58: {  	_ = 	snop  }
0x59: {  	[tilespmem:s11], [sflag:$0x2] =	stream.indirect_vreg.gather [hbm4b:s9+s25], $0x80, v3, vm0, $0xb8;
	[tilespmem:$0x10100] =	vst v63  }
0x5a: {  	_ = 	snop  }
0x5b: {  	[tilespmem:s2], [sflag:$0x2] =	stream.indirect_vreg.gather [hbm4b:s10+s25], $0x80, v3, vm0, $0xb8;
	[tilespmem:$0x10100] =	vst v63  }
0x5c: {  	v3 =	vld [tilespmem:s24+$0x90];
	_ =	sdelay $0x4  }
0x5d: {  	v4 =	vshll.u32 v3, $0x3  }
0x5e: {  	v3 =	vand.u32 $0x7, v3;
	v4 =	vand.u32 $0xFFFFFFC0, v4  }
0x5f: {  	v3 =	vor.u32 v3, v4  }
0x60: {  	v4 =	vperm.xlane v3, v0;
	_ =	sdelay $0x1  }
0x61: {  	v4 =	vadd.s32 v1, v4;
	_ =	sdelay $0x4  }
0x62: {  	[tilespmem:s3], [sflag:$0x2] =	stream.indirect_vreg.gather [hbm4b:s5+s25], $0x80, v4, vm0, $0xb8;
	[tilespmem:$0x10100] =	vst v63  }
0x63: {  	v3 =	vperm.xlane v3, v2  }
0x64: {  	[tilespmem:s15], [sflag:$0x2] =	stream.indirect_vreg.gather [hbm4b:s8+s25], $0x80, v4, vm0, $0xb8;
	[tilespmem:$0x10100] =	vst v63  }
0x65: {  	v3 =	vadd.s32 v1, v3  }
0x66: {  	[tilespmem:s16], [sflag:$0x2] =	stream.indirect_vreg.gather [hbm4b:s9+s25], $0x80, v4, vm0, $0xb8;
	[tilespmem:$0x10100] =	vst v63  }
0x67: {  	_ = 	snop  }
0x68: {  	[tilespmem:s17], [sflag:$0x2] =	stream.indirect_vreg.gather [hbm4b:s10+s25], $0x80, v4, vm0, $0xb8;
	[tilespmem:$0x10100] =	vst v63  }
0x69: {  	_ = 	snop  }
0x6a: {  	[tilespmem:s18], [sflag:$0x2] =	stream.indirect_vreg.gather [hbm4b:s5+s25], $0x80, v3, vm0, $0xb8;
	[tilespmem:$0x10100] =	vst v63  }
0x6b: {  	_ = 	snop  }
0x6c: {  	[tilespmem:s19], [sflag:$0x2] =	stream.indirect_vreg.gather [hbm4b:s8+s25], $0x80, v3, vm0, $0xb8;
	[tilespmem:$0x10100] =	vst v63  }
0x6d: {  	_ = 	snop  }
0x6e: {  	[tilespmem:s20], [sflag:$0x2] =	stream.indirect_vreg.gather [hbm4b:s9+s25], $0x80, v3, vm0, $0xb8;
	[tilespmem:$0x10100] =	vst v63  }
0x6f: {  	_ = 	snop  }
0x70: {  	[tilespmem:s21], [sflag:$0x2] =	stream.indirect_vreg.gather [hbm4b:s10+s25], $0x80, v3, vm0, $0xb8;
	[tilespmem:$0x10100] =	vst v63  }
0x71: {  	_ =	swait.ge [sflag:s22], $0x8000  }
0x72: {  	[sflag:s22] =	ssyncset.done $0x0  }
0x73: {  	s28 =	sand.u32 $0x1C00, s25;
	s31 =	simm.s32 $0x0;
	[sflag:s22] =	ssyncadd.s32 $0xFFFF8000  }
0x74: {  	s26 =	sand.u32 $0x6000, s31;
	s29 =	simm.s32 $0x0;
	_ =	swait.ge [sflag:s23], $0x8000  }
0x75: {  	s26 =	sor.u32 s28, s26;
	s28 =	sand.u32 $0x380, s29;
	[sflag:s23] =	ssyncset.done $0x0  }
0x76: {  	s26 =	sor.u32 s28, s26;
	[sflag:s23] =	ssyncadd.s32 $0xFFFF8000  }
0x77: {  	v3 =	vld [tilespmem:s26+$0x170]  }
0x78: {  	v5 =	vld [tilespmem:s26+$0x8170]  }
0x79: {  	v6 =	vld [tilespmem:s26+$0x100]  }
0x7a: {  	v8 =	vld [tilespmem:s26+$0x8100]  }
0x7b: {  	v9 =	vld [tilespmem:s26+$0x110]  }
0x7c: {  	v10 =	vld [tilespmem:s26+$0x8110]  }
0x7d: {  	v4 =	vld [tilespmem:s26+$0x120]  }
0x7e: {  	v7 =	vld [tilespmem:s26+$0x8120];
	v5 =	vadd.f32 v5, v3  }
0x7f: {  	v8 =	vadd.f32 v8, v6;
	v3 =	vld [tilespmem:s26+$0x130]  }
0x80: {  	v6 =	vld [tilespmem:s26+$0x8130];
	[tilespmem:s26+$0x170] =	vst v5  }
0x81: {  	p1 =	por p0, p0;
	s28 =	simm.s32 $0x0;
	[tilespmem:s26+$0x100] =	vst v8;
	v8 =	vadd.f32 v10, v9;
	v5 =	vld [tilespmem:s26+$0x140]  }
.LBB2_3:
0x82: {  	s28 =	sadd.s32 $0x8, s28;
	v9 =	vld [tilespmem:s26+$0x8140]  }
0x83: {  	s25 =	sadd.s32 $0x400, s25;
	s29 =	sshll.u32 s28, $0x4;
	p0 =	slt.u32 s28, $0x7F8;
	[tilespmem:s26+$0x110] =	vst v8;
	v4 =	vadd.f32 v7, v4;
	v7 =	vld [tilespmem:s26+$0x150]  }
0x84: {  	s30 =	sand.u32 $0x1C00, s25;
	s31 =	sshll.u32 s28, $0x1;
	s29 =	sand.u32 $0x6000, s29;
	v8 =	vld [tilespmem:s26+$0x8150]  }
0x85: {  	s29 =	sor.u32 s30, s29;
	s30 =	sand.u32 $0x380, s31;
	[tilespmem:s26+$0x120] =	vst v4;
	v3 =	vadd.f32 v6, v3;
	v4 =	vld [tilespmem:s26+$0x160]  }
0x86: {  	s29 =	sor.u32 s30, s29;
	v6 =	vld [tilespmem:s26+$0x8160]  }
0x87: {  	v10 =	vld [tilespmem:s29+$0x170];
	[tilespmem:s26+$0x130] =	vst v3;
	v3 =	vadd.f32 v9, v5  }
0x88: {  	v5 =	vld [tilespmem:s29+$0x8170]  }
0x89: {  	v9 =	vld [tilespmem:s29+$0x100];
	[tilespmem:s26+$0x140] =	vst v3;
	v3 =	vadd.f32 v8, v7  }
0x8a: {  	v8 =	vld [tilespmem:s29+$0x8100]  }
0x8b: {  	v11 =	vld [tilespmem:s29+$0x110];
	[tilespmem:s26+$0x150] =	vst v3;
	v3 =	vadd.f32 v6, v4  }
0x8c: {  	v12 =	vld [tilespmem:s29+$0x8110]  }
.Ltmp0:
0x8d: {  	v4 =	vld [tilespmem:s29+$0x120];
	v5 =	vadd.f32 v5, v10;
	[tilespmem:s26+$0x160] =	vst v3;
	s26 =	smov.u32 s29;
	(pc) =	sbr.rel @p0 .LBB2_3-.Ltmp0, $4  }
0x8e: {  	v7 =	vld [tilespmem:s26+$0x8120]  }
0x8f: {  	v8 =	vadd.f32 v8, v9;
	v3 =	vld [tilespmem:s26+$0x130];
	[tilespmem:s26+$0x170] =	vst v5  }
0x90: {  	v6 =	vld [tilespmem:s26+$0x8130]  }
0x91: {  	[tilespmem:s26+$0x100] =	vst v8;
	v8 =	vadd.f32 v12, v11;
	v5 =	vld [tilespmem:s26+$0x140]  }
0x92: {  	v9 =	vld [tilespmem:s26+$0x8140]  }
0x93: {  	v10 =	vld [tilespmem:s26+$0x150]  }
0x94: {  	v11 =	vld [tilespmem:s26+$0x8150]  }
0x95: {  	v12 =	vld [tilespmem:s26+$0x160]  }
0x96: {  	v13 =	vld [tilespmem:s26+$0x8160]  }
0x97: {  	v4 =	vadd.f32 v7, v4  }
0x98: {  	[tilespmem:s26+$0x110] =	vst v8;
	v3 =	vadd.f32 v6, v3  }
0x99: {  	[tilespmem:s26+$0x120] =	vst v4;
	v62 =	vadd.f32 v9, v5  }
0x9a: {  	[tilespmem:s26+$0x130] =	vst v3;
	v3 =	vadd.f32 v11, v10  }
0x9b: {  	s24 =	sor.u32 s4, s24;
	v63 =	vadd.f32 v13, v12;
	[tilespmem:s26+$0x140] =	vst v62  }
0x9c: {  	s25 =	rddreg [dreg:$0x1];
	s24 =	sshll.u32 s24, $0x7;
	[tilespmem:s26+$0x150] =	vst v3  }
.Ltmp1:
0x9d: {  	s24 =	sadd.s32 s25, s24;
	[tilespmem:s26+$0x160] =	vst v63;
	(pc) =	sbr.rel @p1 .LBB2_2-.Ltmp1, $4  }
0x9e: {  	[hbm4b:s24+s1] =	stream.linear.scatter [tilespmem:s14], [sflag:$0x3], $0x8000, $0x38;
	[tilespmem:$0x10100] =	vst v63  }
0x9f: {  	_ =	swait.ge [sflag:s12], $0x8000  }
0xa0: {  	[sflag:s12] =	ssyncset.done $0x0  }
0xa1: {  	p0 =	por $0x0, $0x0;
	s24 =	simm.s32 $0x20;
	[sflag:s12] =	ssyncadd.s32 $0xFFFF8000  }
0xa2: {  	s24 =	rddreg [dreg:$0x6]  }
0xa3: {  	s1 =	rddreg [dreg:$0x5];
	s24 =	sadd.s32 $0x1, s24  }
0xa4: {  	p0 =	sne.s32 s24, s1  }
.Ltmp2:
0xa5: {  	_ = 	snop;
	(pc) =	sbr.rel @p0 .LBB2_1-.Ltmp2, $1  }
0xa6: {  	_ =	sdelay $0x3  }
0xa7: {  	_ =	sfence.sel $0x180000  }
0xa8: {  	[bflag:$0x0] =	sbarrier.arrive $0xFFFF  }
0xa9: {  	_ =	strace $0x9000004A  }
0xaa: {  	s0 =	stileid.u32;
	[bflag:$0x2] =	sbarrier.arrive $0xFFFF  }
0xab: {  	p0 =	sne.s32 s0, $0x0;
	s0 =	rddreg [dreg:$0x2]  }
0xac: {  	s0 =	sadd.s32 @!p0 $0x100000, s0  }
0xad: {  	[sflag:s0] =	ssyncadd.tile.s32 @!p0 $0x1;
	_ =	shalt  }
.Lfunc_end2:
_tile_overlayer_lowered:
.L_overlay_start_2:
0xae: {  	(tag) =	ssettag $0x2  }
0xaf: {  	s0 =	rddreg [dreg:$0x0];
	s2 =	stileid.u32  }
0xb0: {  	s1 =	rddreg [dreg:$0x1];
	p0 =	sne.s32 s2, $0x0  }
0xb1: {  	s3 =	rddreg [dreg:$0x2];
	[bflag:$0x3] =	sbarrier.arrive $0xFFFF;
	s2 =	simm.s32 @!p0 $0x1C03  }
0xb2: {  	[timem:s3], [sflag:s2] =	dma.local @!p0 [hbm:s0], s1  }
0xb3: {  	s0 =	simm.s32 @!p0 $0x3  }
0xb4: {  	_ =	swait.ge @!p0 [sflag:s0], s1  }
0xb5: {  	s1 =	ssub.s32 @!p0 $0x0, s1;
	[sflag:s0] =	ssyncset.done @!p0 $0x0  }
0xb6: {  	[sflag:s0] =	ssyncadd.s32 @!p0 s1  }
0xb7: {  	[bflag:$0x3] =	sbarrier.arrive $0xFFFF  }
0xb8: {  	_ =	shalt  }

</sc_bundles>
